<compile_context>
chip_gen: v7x
topology: tpu7x:2x2x1
jax: 0.10.2.dev20260603
libtpu: 0.0.44.dev20260713+nightly
codegen_flags: <defaults>
</compile_context>

<pallas_src>
import jax
import jax.numpy as jnp
from jax.experimental import pallas as pl
from jax.experimental.pallas import tpu as pltpu
from jax.experimental.pallas import tpu_sc as plsc

B = 16384
D = 64

OFF_H, OFF_W, OFF_D, OFF_P = 0, 24, 31, 41
NROWS = 48

NR = 8400
NRP = 8448

B_SC = 4096
B_TC = B - B_SC
BB = 4096
NB = B_TC // BB

NC, NS = 2, 16
NW = NC * NS
BPW = B_SC // NW


def _fused_centered(ht_ref, wt_ref, dt_ref, pt_ref, W_ref, b_ref):
    fused = jnp.zeros((NROWS, 64), jnp.float32)
    for f, (off, ref) in enumerate(((OFF_H, ht_ref), (OFF_W, wt_ref),
                                    (OFF_D, dt_ref), (OFF_P, pt_ref))):
        n = ref.shape[0]
        rsel = jax.lax.broadcasted_iota(jnp.int32, (NROWS, n), 0) - off
        csel = jax.lax.broadcasted_iota(jnp.int32, (NROWS, n), 1)
        S = jnp.where(rsel == csel, 1.0, 0.0)
        placed = jnp.dot(S, ref[...], preferred_element_type=jnp.float32)
        fused = fused + jnp.dot(placed, W_ref[pl.ds(64 * f, 64), :],
                                preferred_element_type=jnp.float32)
    fused = fused - jnp.mean(fused, axis=1, keepdims=True)
    ri = jax.lax.broadcasted_iota(jnp.int32, (NROWS, 64), 0)
    bc = b_ref[...] - jnp.mean(b_ref[...])
    is_p = (ri >= OFF_P) & (ri < 46)
    fused = jnp.where(is_p, fused + bc, fused)
    hi16 = fused.astype(jnp.bfloat16)
    lo16 = (fused - hi16.astype(jnp.float32)).astype(jnp.bfloat16)
    return hi16, lo16


def _norm_tail(xc, g_ref, be_ref):
    sq = xc * xc
    ones = jnp.full((64, 64), 1.0 / 64.0, jnp.float32)
    var = jnp.dot(sq, ones, preferred_element_type=jnp.float32)
    rs = jax.lax.rsqrt(var + 1e-5)
    y = xc * (rs * g_ref[...]) + be_ref[...]
    return jnp.maximum(y, 0.0)


def _encode_block(h_ref, w_ref, d_ref, p_ref, ht_ref, wt_ref, dt_ref, pt_ref,
                  W_ref, b_ref, g_ref, be_ref, out_ref, hi_s, lo_s):
    @pl.when(pl.program_id(0) == 0)
    def _():
        h16, l16 = _fused_centered(ht_ref, wt_ref, dt_ref, pt_ref,
                                   W_ref, b_ref)
        hi_s[...] = h16
        lo_s[...] = l16

    hi16 = hi_s[...]
    lo16 = lo_s[...]
    ci = jax.lax.broadcasted_iota(jnp.int32, (NROWS, BB), 0).astype(jnp.bfloat16)
    one = jnp.ones((), jnp.bfloat16)
    zero = jnp.zeros((), jnp.bfloat16)
    mh = (jnp.where(ci == h_ref[0].astype(jnp.bfloat16), one, zero)
          + jnp.where((ci - OFF_W) == w_ref[0].astype(jnp.bfloat16), one, zero)
          + jnp.where((ci - OFF_D) == d_ref[0].astype(jnp.bfloat16), one, zero)
          + jnp.where((ci - OFF_P) == p_ref[0].astype(jnp.bfloat16), one, zero))
    dn = (((0,), (0,)), ((), ()))
    xc = (jax.lax.dot_general(mh, hi16, dn, preferred_element_type=jnp.float32)
          + jax.lax.dot_general(mh, lo16, dn,
                                preferred_element_type=jnp.float32))
    out_ref[...] = _norm_tail(xc, g_ref, be_ref)


def _encode_tc(hour, weekday, device, platform, ht, wt, dt, pt, W, b,
               gamma, beta, interpret=False):
    idx3 = lambda a: a.reshape(B // BB, 1, BB)
    idx_spec = pl.BlockSpec((1, 1, BB), lambda i: (i, 0, 0))
    full = lambda shape: pl.BlockSpec(shape, lambda i: tuple(0 for _ in shape))
    return pl.pallas_call(
        _encode_block,
        grid=(NB,),
        in_specs=[idx_spec, idx_spec, idx_spec, idx_spec,
                  full(ht.shape), full(wt.shape), full(dt.shape),
                  full(pt.shape), full((256, 64)), full((1, 64)),
                  full((1, 64)), full((1, 64))],
        out_specs=pl.BlockSpec((BB, 64), lambda i: (i, 0)),
        out_shape=jax.ShapeDtypeStruct((B, D), jnp.float32),
        scratch_shapes=[pltpu.VMEM((NROWS, 64), jnp.bfloat16),
                        pltpu.VMEM((NROWS, 64), jnp.bfloat16)],
        interpret=interpret,
    )(idx3(hour), idx3(weekday), idx3(device), idx3(platform),
      ht, wt, dt, pt, W, b.reshape(1, D), gamma.reshape(1, D),
      beta.reshape(1, D))


def _splice_block(tc_ref, sc_ref, out_ref):
    del tc_ref
    out_ref[...] = sc_ref[:, pl.ds(0, D)]


def _splice(out_tc, out_sc):
    return pl.pallas_call(
        _splice_block,
        grid=(B_SC // BB,),
        in_specs=[pl.BlockSpec((8, D), lambda i: (0, 0)),
                  pl.BlockSpec((BB, 2 * D), lambda i: (i, 0))],
        out_specs=pl.BlockSpec((BB, D), lambda i: (NB + i, 0)),
        out_shape=jax.ShapeDtypeStruct((B, D), jnp.float32),
        input_output_aliases={0: 0},
    )(out_tc, out_sc)


NRB = 2816


def _build_block(ht_ref, wt_ref, dt_ref, pt_ref, W_ref, b_ref, g_ref,
                 be_ref, tab_ref, hi_s, lo_s):
    i = pl.program_id(0)

    @pl.when(i == 0)
    def _():
        h16, l16 = _fused_centered(ht_ref, wt_ref, dt_ref, pt_ref,
                                   W_ref, b_ref)
        hi_s[...] = h16
        lo_s[...] = l16

    hi16 = hi_s[...]
    lo16 = lo_s[...]
    r = jax.lax.broadcasted_iota(jnp.int32, (8, NRB), 1) + i * NRB
    q350 = r // 350
    q50 = r // 50
    q5 = r // 5
    to16 = lambda a: a[0:1].astype(jnp.bfloat16)
    hr = to16(q350)
    wr = to16(q50 - 7 * q350 + OFF_W)
    dr = to16(q5 - 10 * q50 + OFF_D)
    pr = to16(r - 5 * q5 + OFF_P)
    ci = jax.lax.broadcasted_iota(jnp.int32, (NROWS, NRB), 0).astype(jnp.bfloat16)
    one = jnp.ones((), jnp.bfloat16)
    zero = jnp.zeros((), jnp.bfloat16)
    mh = (jnp.where(ci == hr, one, zero) + jnp.where(ci == wr, one, zero)
          + jnp.where(ci == dr, one, zero) + jnp.where(ci == pr, one, zero))
    dn = (((0,), (0,)), ((), ()))
    xc = (jax.lax.dot_general(mh, hi16, dn, preferred_element_type=jnp.float32)
          + jax.lax.dot_general(mh, lo16, dn,
                                preferred_element_type=jnp.float32))
    y = _norm_tail(xc, g_ref, be_ref)
    tab_ref[:, pl.ds(0, D)] = y
    tab_ref[:, pl.ds(D, D)] = y


def _build_table(ht, wt, dt, pt, W, b, gamma, beta, interpret=False):
    full = lambda shape: pl.BlockSpec(shape, lambda i: tuple(0 for _ in shape))
    return pl.pallas_call(
        _build_block,
        grid=(NRP // NRB,),
        in_specs=[full(ht.shape), full(wt.shape), full(dt.shape),
                  full(pt.shape), full((256, 64)), full((1, 64)),
                  full((1, 64)), full((1, 64))],
        out_specs=pl.BlockSpec((NRB, 2 * D), lambda i: (i, 0)),
        out_shape=jax.ShapeDtypeStruct((NRP, 2 * D), jnp.float32),
        scratch_shapes=[pltpu.VMEM((NROWS, 64), jnp.bfloat16),
                        pltpu.VMEM((NROWS, 64), jnp.bfloat16)],
        interpret=interpret,
    )(ht, wt, dt, pt, W, b.reshape(1, D), gamma.reshape(1, D),
      beta.reshape(1, D))


def _vector_mesh():
    return plsc.VectorSubcoreMesh(core_axis_name="core",
                                  subcore_axis_name="subcore")


def _sc_gather(table, hour, weekday, device, platform):
    @pl.kernel(out_type=jax.ShapeDtypeStruct((B_SC, 2 * D), jnp.float32),
               mesh=_vector_mesh(),
               scratch_types=[pltpu.VMEM((BPW,), jnp.int32),
                              pltpu.VMEM((BPW,), jnp.int32),
                              pltpu.VMEM((BPW, 2 * D), jnp.float32),
                              pltpu.SemaphoreType.DMA])
    def k(tab_hbm, h_hbm, w_hbm, d_hbm, p_hbm, o_hbm,
          idx_v, tmp_v, rows_v, sem):
        wid = (jax.lax.axis_index("subcore") * NC
               + jax.lax.axis_index("core"))
        base = B_TC + wid * BPW
        pltpu.sync_copy(h_hbm.at[pl.ds(base, BPW)], idx_v)
        pltpu.sync_copy(w_hbm.at[pl.ds(base, BPW)], tmp_v)

        @pl.loop(0, BPW, step=16)
        def _(j):
            s = pl.ds(j, 16)
            idx_v.at[s][...] = idx_v.at[s][...] * 7 + tmp_v.at[s][...]

        pltpu.sync_copy(d_hbm.at[pl.ds(base, BPW)], tmp_v)

        @pl.loop(0, BPW, step=16)
        def _(j):
            s = pl.ds(j, 16)
            idx_v.at[s][...] = idx_v.at[s][...] * 10 + tmp_v.at[s][...]

        pltpu.sync_copy(p_hbm.at[pl.ds(base, BPW)], tmp_v)

        @pl.loop(0, BPW, step=16)
        def _(j):
            s = pl.ds(j, 16)
            idx_v.at[s][...] = idx_v.at[s][...] * 5 + tmp_v.at[s][...]

        pltpu.async_copy(tab_hbm.at[idx_v], rows_v, sem).wait()
        pltpu.sync_copy(rows_v, o_hbm.at[pl.ds(wid * BPW, BPW)])

    return k(table, hour, weekday, device, platform)


def kernel(hour, weekday, device, platform, hour_table, weekday_table,
           device_table, platform_table, W, b, gamma, beta):
    table = _build_table(hour_table, weekday_table, device_table,
                         platform_table, W, b, gamma, beta)
    out_sc = _sc_gather(table, hour, weekday, device, platform)
    out_tc = _encode_tc(hour, weekday, device, platform, hour_table,
                        weekday_table, device_table, platform_table,
                        W, b, gamma, beta)
    return _splice(out_tc, out_sc)

# --- scband reference (transcript-rebuilt; emitter-appended) ---
"""Pipeline reference for scband-context-feature-encoder-36627481101151 (READ-ONLY COPY).

The authoritative reference and input builder live on the scoring server;
editing this copy changes nothing except your own understanding.
"""

import jax, jax.numpy as jnp
import numpy as np

B = 16384
D = 64

def _make_table(key, n, d):
    std = np.sqrt(2.0 / (n + d))
    t = jax.random.normal(key, (n, d), dtype=jnp.float32) * std
    return t.at[0].set(0.0)  # padding_idx=0 zeroed

def setup_inputs(seed: int = 0) -> dict:
    key = jax.random.key(seed)
    ks = jax.random.split(key, 12)
    inp = {}
    inp['hour'] = jax.random.randint(ks[0], (B,), 0, 24, dtype=jnp.int32)
    inp['weekday'] = jax.random.randint(ks[1], (B,), 0, 7, dtype=jnp.int32)
    inp['device'] = jax.random.randint(ks[2], (B,), 0, 10, dtype=jnp.int32)
    inp['platform'] = jax.random.randint(ks[3], (B,), 0, 5, dtype=jnp.int32)
    inp['hour_table'] = _make_table(ks[4], 24, D)
    inp['weekday_table'] = _make_table(ks[5], 7, D)
    inp['device_table'] = _make_table(ks[6], 10, D)
    inp['platform_table'] = _make_table(ks[7], 5, D)
    lim = np.sqrt(1.0 / (4 * D))
    inp['W'] = jax.random.uniform(ks[8], (4 * D, D), dtype=jnp.float32, minval=-lim, maxval=lim)
    inp['b'] = jax.random.uniform(ks[9], (D,), dtype=jnp.float32, minval=-lim, maxval=lim)
    inp['gamma'] = jnp.ones((D,), dtype=jnp.float32)
    inp['beta'] = jnp.zeros((D,), dtype=jnp.float32)
    return inp

def _layer_norm(x, gamma, beta, eps=1e-5):
    mu = jnp.mean(x, axis=-1, keepdims=True)
    var = jnp.mean((x - mu) ** 2, axis=-1, keepdims=True)
    return (x - mu) / jnp.sqrt(var + eps) * gamma + beta

def reference(hour, weekday, device, platform, hour_table, weekday_table,
              device_table, platform_table, W, b, gamma, beta):
    hour_emb = jnp.take(hour_table, hour, axis=0)
    weekday_emb = jnp.take(weekday_table, weekday, axis=0)
    device_emb = jnp.take(device_table, device, axis=0)
    platform_emb = jnp.take(platform_table, platform, axis=0)
    combined = jnp.concatenate([hour_emb, weekday_emb, device_emb, platform_emb], axis=-1)
    h = combined @ W + b
    h = _layer_norm(h, gamma, beta)
    return jax.nn.relu(h)

if __name__ == "__main__":
    import jax
    _d = setup_inputs()
    print(jax.jit(kernel)(*tuple(_d.values())))

</pallas_src>

<mosaic_0001>
#map = affine_map<(d0, d1) -> (0, 0)>
#map1 = affine_map<(d0, d1) -> (0)>
module attributes {stable_mosaic.version = 14 : i64} {
  func.func @k(%arg0: i32, %arg1: i32, %arg2: memref<8448x128xf32, #tpu.memory_space<hbm>>, %arg3: memref<16384xi32, #tpu.memory_space<hbm>>, %arg4: memref<16384xi32, #tpu.memory_space<hbm>>, %arg5: memref<16384xi32, #tpu.memory_space<hbm>>, %arg6: memref<16384xi32, #tpu.memory_space<hbm>>, %arg7: memref<4096x128xf32, #tpu.memory_space<hbm>>, %arg8: memref<128xi32, #tpu.memory_space<vmem>>, %arg9: memref<128xi32, #tpu.memory_space<vmem>>, %arg10: memref<128x128xf32, #tpu.memory_space<vmem>>, %arg11: memref<!tpu.dma_semaphore, #tpu.memory_space<semaphore_mem>>) attributes {dimension_semantics = [#tpu.dimension_semantics<core_parallel>, #tpu.dimension_semantics<subcore_parallel>], iteration_bounds = array<i64: 2, 16>, scalar_prefetch = 0 : i64, scratch_operands = 4 : i64, tpu.core_type = #tpu.core_type<sc_vector_subcore>, window_params = [{transform_indices = #map}, {transform_indices = #map1}, {transform_indices = #map1}, {transform_indices = #map1}, {transform_indices = #map1}, {transform_indices = #map}]} {
    %mul3A = arith.constant 2 : i32
    %mul3A_0 = arith.muli %arg1, %mul3A : i32
    %add3A = arith.addi %mul3A_0, %arg0 : i32
    %mul3A_1 = arith.constant 128 : i32
    %mul3A_2 = arith.muli %add3A, %mul3A_1 : i32
    %add3A_3 = arith.constant 12288 : i32
    %add3A_4 = arith.addi %add3A_3, %mul3A_2 : i32
    "tpu.region"() ({
      %run_scoped3A = tpu.sem_alloc : memref<!tpu.dma_semaphore, #tpu.memory_space<semaphore_mem>>
      %dma_start3A_25 = tpu.memref_slice %arg3[%add3A_4] : memref<16384xi32, #tpu.memory_space<hbm>> -> memref<128xi32, #tpu.memory_space<hbm>>
      %dma_start3A_26 = tpu.memref_slice %arg3[%add3A_4] : memref<16384xi32, #tpu.memory_space<hbm>> -> memref<128xi32, #tpu.memory_space<hbm>>
      tpu.enqueue_dma source(%dma_start3A_26 : memref<128xi32, #tpu.memory_space<hbm>>) target(%arg8 : memref<128xi32, #tpu.memory_space<vmem>>) target_semaphore(%run_scoped3A : memref<!tpu.dma_semaphore, #tpu.memory_space<semaphore_mem>>)
      %dma_wait3A_27 = tpu.memref_slice %arg3[%add3A_4] : memref<16384xi32, #tpu.memory_space<hbm>> -> memref<128xi32, #tpu.memory_space<hbm>>
      %dma_wait3A_28 = tpu.memref_slice %arg3[%add3A_4] : memref<16384xi32, #tpu.memory_space<hbm>> -> memref<128xi32, #tpu.memory_space<hbm>>
      tpu.wait_dma2 semaphore(%run_scoped3A : memref<!tpu.dma_semaphore, #tpu.memory_space<semaphore_mem>>) src(%dma_wait3A_28 : memref<128xi32, #tpu.memory_space<hbm>>) dst(%arg8 : memref<128xi32, #tpu.memory_space<vmem>>)
      tpu.yield
    }) : () -> ()
    "tpu.region"() ({
      %run_scoped3A = tpu.sem_alloc : memref<!tpu.dma_semaphore, #tpu.memory_space<semaphore_mem>>
      %dma_start3A_25 = tpu.memref_slice %arg4[%add3A_4] : memref<16384xi32, #tpu.memory_space<hbm>> -> memref<128xi32, #tpu.memory_space<hbm>>
      %dma_start3A_26 = tpu.memref_slice %arg4[%add3A_4] : memref<16384xi32, #tpu.memory_space<hbm>> -> memref<128xi32, #tpu.memory_space<hbm>>
      tpu.enqueue_dma source(%dma_start3A_26 : memref<128xi32, #tpu.memory_space<hbm>>) target(%arg9 : memref<128xi32, #tpu.memory_space<vmem>>) target_semaphore(%run_scoped3A : memref<!tpu.dma_semaphore, #tpu.memory_space<semaphore_mem>>)
      %dma_wait3A_27 = tpu.memref_slice %arg4[%add3A_4] : memref<16384xi32, #tpu.memory_space<hbm>> -> memref<128xi32, #tpu.memory_space<hbm>>
      %dma_wait3A_28 = tpu.memref_slice %arg4[%add3A_4] : memref<16384xi32, #tpu.memory_space<hbm>> -> memref<128xi32, #tpu.memory_space<hbm>>
      tpu.wait_dma2 semaphore(%run_scoped3A : memref<!tpu.dma_semaphore, #tpu.memory_space<semaphore_mem>>) src(%dma_wait3A_28 : memref<128xi32, #tpu.memory_space<hbm>>) dst(%arg9 : memref<128xi32, #tpu.memory_space<vmem>>)
      tpu.yield
    }) : () -> ()
    %scan3A = arith.constant 0 : i32
    %scan3A_5 = arith.constant 8 : i32
    %scan3A_6 = arith.addi %scan3A, %scan3A_5 : i32
    %scan3A_7 = arith.constant 1 : i32
    scf.for %scan3A_25 = %scan3A to %scan3A_6 step %scan3A_7  : i32 {
      %mul3A_26 = arith.constant 16 : i32
      %mul3A_27 = arith.muli %scan3A_25, %mul3A_26 : i32
      %add3A_28 = arith.constant 0 : i32
      %add3A_29 = arith.addi %add3A_28, %mul3A_27 : i32
      %get3A = arith.index_cast %add3A_29 : i32 to index
      %get3A_30 = tpu.vector_load %arg8[%get3A] {strides = array<i32>} : memref<128xi32, #tpu.memory_space<vmem>>, vector<16xi32>,
      %get3A_31 = vector.shape_cast %get3A_30 : vector<16xi32> to vector<16xi32>
      %mul3A_32 = arith.constant 7 : i32
      %mul3A_33 = vector.broadcast %mul3A_32 : i32 to vector<16xi32>
      %mul3A_34 = arith.muli %get3A_31, %mul3A_33 : vector<16xi32>
      %get3A_35 = arith.index_cast %add3A_29 : i32 to index
      %get3A_36 = tpu.vector_load %arg9[%get3A_35] {strides = array<i32>} : memref<128xi32, #tpu.memory_space<vmem>>, vector<16xi32>,
      %get3A_37 = vector.shape_cast %get3A_36 : vector<16xi32> to vector<16xi32>
      %add3A_38 = arith.addi %mul3A_34, %get3A_37 : vector<16xi32>
      %swap3A = arith.index_cast %add3A_29 : i32 to index
      %swap3A_39 = tpu.vector_load %arg8[%swap3A] {strides = array<i32>} : memref<128xi32, #tpu.memory_space<vmem>>, vector<16xi32>,
      %swap3A_40 = vector.shape_cast %swap3A_39 : vector<16xi32> to vector<16xi32>
      %swap3A_41 = vector.shape_cast %add3A_38 : vector<16xi32> to vector<16xi32>
      tpu.vector_store %arg8[%swap3A], %swap3A_41 {strides = array<i32>} : memref<128xi32, #tpu.memory_space<vmem>>, vector<16xi32>,
    }
    %scan3A_8 = arith.constant 8 : i32
    "tpu.region"() ({
      %run_scoped3A = tpu.sem_alloc : memref<!tpu.dma_semaphore, #tpu.memory_space<semaphore_mem>>
      %dma_start3A_25 = tpu.memref_slice %arg5[%add3A_4] : memref<16384xi32, #tpu.memory_space<hbm>> -> memref<128xi32, #tpu.memory_space<hbm>>
      %dma_start3A_26 = tpu.memref_slice %arg5[%add3A_4] : memref<16384xi32, #tpu.memory_space<hbm>> -> memref<128xi32, #tpu.memory_space<hbm>>
      tpu.enqueue_dma source(%dma_start3A_26 : memref<128xi32, #tpu.memory_space<hbm>>) target(%arg9 : memref<128xi32, #tpu.memory_space<vmem>>) target_semaphore(%run_scoped3A : memref<!tpu.dma_semaphore, #tpu.memory_space<semaphore_mem>>)
      %dma_wait3A_27 = tpu.memref_slice %arg5[%add3A_4] : memref<16384xi32, #tpu.memory_space<hbm>> -> memref<128xi32, #tpu.memory_space<hbm>>
      %dma_wait3A_28 = tpu.memref_slice %arg5[%add3A_4] : memref<16384xi32, #tpu.memory_space<hbm>> -> memref<128xi32, #tpu.memory_space<hbm>>
      tpu.wait_dma2 semaphore(%run_scoped3A : memref<!tpu.dma_semaphore, #tpu.memory_space<semaphore_mem>>) src(%dma_wait3A_28 : memref<128xi32, #tpu.memory_space<hbm>>) dst(%arg9 : memref<128xi32, #tpu.memory_space<vmem>>)
      tpu.yield
    }) : () -> ()
    %scan3A_9 = arith.constant 0 : i32
    %scan3A_10 = arith.constant 8 : i32
    %scan3A_11 = arith.addi %scan3A_9, %scan3A_10 : i32
    %scan3A_12 = arith.constant 1 : i32
    scf.for %scan3A_25 = %scan3A_9 to %scan3A_11 step %scan3A_12  : i32 {
      %mul3A_26 = arith.constant 16 : i32
      %mul3A_27 = arith.muli %scan3A_25, %mul3A_26 : i32
      %add3A_28 = arith.constant 0 : i32
      %add3A_29 = arith.addi %add3A_28, %mul3A_27 : i32
      %get3A = arith.index_cast %add3A_29 : i32 to index
      %get3A_30 = tpu.vector_load %arg8[%get3A] {strides = array<i32>} : memref<128xi32, #tpu.memory_space<vmem>>, vector<16xi32>,
      %get3A_31 = vector.shape_cast %get3A_30 : vector<16xi32> to vector<16xi32>
      %mul3A_32 = arith.constant 10 : i32
      %mul3A_33 = vector.broadcast %mul3A_32 : i32 to vector<16xi32>
      %mul3A_34 = arith.muli %get3A_31, %mul3A_33 : vector<16xi32>
      %get3A_35 = arith.index_cast %add3A_29 : i32 to index
      %get3A_36 = tpu.vector_load %arg9[%get3A_35] {strides = array<i32>} : memref<128xi32, #tpu.memory_space<vmem>>, vector<16xi32>,
      %get3A_37 = vector.shape_cast %get3A_36 : vector<16xi32> to vector<16xi32>
      %add3A_38 = arith.addi %mul3A_34, %get3A_37 : vector<16xi32>
      %swap3A = arith.index_cast %add3A_29 : i32 to index
      %swap3A_39 = tpu.vector_load %arg8[%swap3A] {strides = array<i32>} : memref<128xi32, #tpu.memory_space<vmem>>, vector<16xi32>,
      %swap3A_40 = vector.shape_cast %swap3A_39 : vector<16xi32> to vector<16xi32>
      %swap3A_41 = vector.shape_cast %add3A_38 : vector<16xi32> to vector<16xi32>
      tpu.vector_store %arg8[%swap3A], %swap3A_41 {strides = array<i32>} : memref<128xi32, #tpu.memory_space<vmem>>, vector<16xi32>,
    }
    %scan3A_13 = arith.constant 8 : i32
    "tpu.region"() ({
      %run_scoped3A = tpu.sem_alloc : memref<!tpu.dma_semaphore, #tpu.memory_space<semaphore_mem>>
      %dma_start3A_25 = tpu.memref_slice %arg6[%add3A_4] : memref<16384xi32, #tpu.memory_space<hbm>> -> memref<128xi32, #tpu.memory_space<hbm>>
      %dma_start3A_26 = tpu.memref_slice %arg6[%add3A_4] : memref<16384xi32, #tpu.memory_space<hbm>> -> memref<128xi32, #tpu.memory_space<hbm>>
      tpu.enqueue_dma source(%dma_start3A_26 : memref<128xi32, #tpu.memory_space<hbm>>) target(%arg9 : memref<128xi32, #tpu.memory_space<vmem>>) target_semaphore(%run_scoped3A : memref<!tpu.dma_semaphore, #tpu.memory_space<semaphore_mem>>)
      %dma_wait3A_27 = tpu.memref_slice %arg6[%add3A_4] : memref<16384xi32, #tpu.memory_space<hbm>> -> memref<128xi32, #tpu.memory_space<hbm>>
      %dma_wait3A_28 = tpu.memref_slice %arg6[%add3A_4] : memref<16384xi32, #tpu.memory_space<hbm>> -> memref<128xi32, #tpu.memory_space<hbm>>
      tpu.wait_dma2 semaphore(%run_scoped3A : memref<!tpu.dma_semaphore, #tpu.memory_space<semaphore_mem>>) src(%dma_wait3A_28 : memref<128xi32, #tpu.memory_space<hbm>>) dst(%arg9 : memref<128xi32, #tpu.memory_space<vmem>>)
      tpu.yield
    }) : () -> ()
    %scan3A_14 = arith.constant 0 : i32
    %scan3A_15 = arith.constant 8 : i32
    %scan3A_16 = arith.addi %scan3A_14, %scan3A_15 : i32
    %scan3A_17 = arith.constant 1 : i32
    scf.for %scan3A_25 = %scan3A_14 to %scan3A_16 step %scan3A_17  : i32 {
      %mul3A_26 = arith.constant 16 : i32
      %mul3A_27 = arith.muli %scan3A_25, %mul3A_26 : i32
      %add3A_28 = arith.constant 0 : i32
      %add3A_29 = arith.addi %add3A_28, %mul3A_27 : i32
      %get3A = arith.index_cast %add3A_29 : i32 to index
      %get3A_30 = tpu.vector_load %arg8[%get3A] {strides = array<i32>} : memref<128xi32, #tpu.memory_space<vmem>>, vector<16xi32>,
      %get3A_31 = vector.shape_cast %get3A_30 : vector<16xi32> to vector<16xi32>
      %mul3A_32 = arith.constant 5 : i32
      %mul3A_33 = vector.broadcast %mul3A_32 : i32 to vector<16xi32>
      %mul3A_34 = arith.muli %get3A_31, %mul3A_33 : vector<16xi32>
      %get3A_35 = arith.index_cast %add3A_29 : i32 to index
      %get3A_36 = tpu.vector_load %arg9[%get3A_35] {strides = array<i32>} : memref<128xi32, #tpu.memory_space<vmem>>, vector<16xi32>,
      %get3A_37 = vector.shape_cast %get3A_36 : vector<16xi32> to vector<16xi32>
      %add3A_38 = arith.addi %mul3A_34, %get3A_37 : vector<16xi32>
      %swap3A = arith.index_cast %add3A_29 : i32 to index
      %swap3A_39 = tpu.vector_load %arg8[%swap3A] {strides = array<i32>} : memref<128xi32, #tpu.memory_space<vmem>>, vector<16xi32>,
      %swap3A_40 = vector.shape_cast %swap3A_39 : vector<16xi32> to vector<16xi32>
      %swap3A_41 = vector.shape_cast %add3A_38 : vector<16xi32> to vector<16xi32>
      tpu.vector_store %arg8[%swap3A], %swap3A_41 {strides = array<i32>} : memref<128xi32, #tpu.memory_space<vmem>>, vector<16xi32>,
    }
    %scan3A_18 = arith.constant 8 : i32
    %dma_start3A = arith.constant 0 : i32
    %dma_start3A_19 = arith.constant 0 : i32
    %dma_start3A_20 = tpu.memref_slice %arg2[%dma_start3A, %dma_start3A_19] : memref<8448x128xf32, #tpu.memory_space<hbm>> -> memref<8448x128xf32, #tpu.memory_space<hbm>>
    tpu.enqueue_indirect_dma source(%dma_start3A_20 : memref<8448x128xf32, #tpu.memory_space<hbm>>) target(%arg10 : memref<128x128xf32, #tpu.memory_space<vmem>>) offsets(%arg8 : memref<128xi32, #tpu.memory_space<vmem>>) semaphore(%arg11 : memref<!tpu.dma_semaphore, #tpu.memory_space<semaphore_mem>>)
    %dma_wait3A = arith.constant 0 : i32
    %dma_wait3A_21 = arith.constant 0 : i32
    %dma_wait3A_22 = tpu.memref_slice %arg2[%dma_wait3A, %dma_wait3A_21] : memref<8448x128xf32, #tpu.memory_space<hbm>> -> memref<8448x128xf32, #tpu.memory_space<hbm>>
    tpu.wait_indirect_dma semaphore(%arg11 : memref<!tpu.dma_semaphore, #tpu.memory_space<semaphore_mem>>) src(%dma_wait3A_22 : memref<8448x128xf32, #tpu.memory_space<hbm>>) dst(%arg10 : memref<128x128xf32, #tpu.memory_space<vmem>>)
    %mul3A_23 = arith.constant 128 : i32
    %mul3A_24 = arith.muli %add3A, %mul3A_23 : i32
    "tpu.region"() ({
      %run_scoped3A = tpu.sem_alloc : memref<!tpu.dma_semaphore, #tpu.memory_space<semaphore_mem>>
      %dma_start3A_25 = arith.constant 0 : i32
      %dma_start3A_26 = tpu.memref_slice %arg7[%mul3A_24, %dma_start3A_25] : memref<4096x128xf32, #tpu.memory_space<hbm>> -> memref<128x128xf32, #tpu.memory_space<hbm>>
      %dma_start3A_27 = arith.constant 0 : i32
      %dma_start3A_28 = tpu.memref_slice %arg7[%mul3A_24, %dma_start3A_27] : memref<4096x128xf32, #tpu.memory_space<hbm>> -> memref<128x128xf32, #tpu.memory_space<hbm>>
      tpu.enqueue_dma source(%arg10 : memref<128x128xf32, #tpu.memory_space<vmem>>) target(%dma_start3A_28 : memref<128x128xf32, #tpu.memory_space<hbm>>) target_semaphore(%run_scoped3A : memref<!tpu.dma_semaphore, #tpu.memory_space<semaphore_mem>>)
      %dma_wait3A_29 = arith.constant 0 : i32
      %dma_wait3A_30 = tpu.memref_slice %arg7[%mul3A_24, %dma_wait3A_29] : memref<4096x128xf32, #tpu.memory_space<hbm>> -> memref<128x128xf32, #tpu.memory_space<hbm>>
      %dma_wait3A_31 = arith.constant 0 : i32
      %dma_wait3A_32 = tpu.memref_slice %arg7[%mul3A_24, %dma_wait3A_31] : memref<4096x128xf32, #tpu.memory_space<hbm>> -> memref<128x128xf32, #tpu.memory_space<hbm>>
      tpu.wait_dma2 semaphore(%run_scoped3A : memref<!tpu.dma_semaphore, #tpu.memory_space<semaphore_mem>>) src(%arg10 : memref<128x128xf32, #tpu.memory_space<vmem>>) dst(%dma_wait3A_32 : memref<128x128xf32, #tpu.memory_space<hbm>>)
      tpu.yield
    }) : () -> ()
    return
  }
}

module attributes {stable_mosaic.version = 14 : i64} {
  func.func @_splice_block(%arg0: i32, %arg1: memref<8x64xf32, #tpu.memory_space<vmem>>, %arg2: memref<4096x128xf32, #tpu.memory_space<vmem>>, %arg3: memref<4096x64xf32, #tpu.memory_space<vmem>>) attributes {dimension_semantics = [#tpu.dimension_semantics<arbitrary>], iteration_bounds = array<i64: 1>, scalar_prefetch = 0 : i64, scratch_operands = 0 : i64, tpu.core_type = #tpu.core_type<tc>, window_params = [{transform_indices = @transform_0, window_bounds = array<i64: 8, 64>}, {transform_indices = @transform_1, window_bounds = array<i64: 4096, 128>}, {transform_indices = @transform_2, window_bounds = array<i64: 4096, 64>}]} {
    %get3A = arith.constant 0 : index
    %get3A_0 = arith.constant 0 : index
    %get3A_1 = vector.load %arg2[%get3A, %get3A_0] : memref<4096x128xf32, #tpu.memory_space<vmem>>, vector<4096x64xf32>
    %swap3A = arith.constant 0 : index
    %swap3A_2 = arith.constant 0 : index
    %swap3A_3 = vector.load %arg3[%swap3A, %swap3A_2] : memref<4096x64xf32, #tpu.memory_space<vmem>>, vector<4096x64xf32>
    tpu.vector_store %arg3[%swap3A, %swap3A_2], %get3A_1 {strides = array<i32>} : memref<4096x64xf32, #tpu.memory_space<vmem>>, vector<4096x64xf32>,
    return
  }
  func.func @transform_0(%arg0: i32) -> (i32, i32) {
    %c0_i32 = arith.constant 0 : i32
    %c0_i32_0 = arith.constant 0 : i32
    %c0_i32_1 = arith.constant 0 : i32
    return %c0_i32, %c0_i32_0 : i32, i32
  }
  func.func @transform_1(%arg0: i32) -> (i32, i32) {
    %c0_i32 = arith.constant 0 : i32
    %c0_i32_0 = arith.constant 0 : i32
    return %arg0, %c0_i32 : i32, i32
  }
  func.func @transform_2(%arg0: i32) -> (i32, i32) {
    %add3A = arith.constant 3 : i32
    %add3A_0 = arith.addi %add3A, %arg0 : i32
    %c0_i32 = arith.constant 0 : i32
    %c0_i32_1 = arith.constant 0 : i32
    return %add3A_0, %c0_i32 : i32, i32
  }
}

module attributes {stable_mosaic.version = 14 : i64} {
  func.func @_encode_block(%arg0: i32, %arg1: memref<1x1x4096xi32, #tpu.memory_space<vmem>>, %arg2: memref<1x1x4096xi32, #tpu.memory_space<vmem>>, %arg3: memref<1x1x4096xi32, #tpu.memory_space<vmem>>, %arg4: memref<1x1x4096xi32, #tpu.memory_space<vmem>>, %arg5: memref<24x64xf32, #tpu.memory_space<vmem>>, %arg6: memref<7x64xf32, #tpu.memory_space<vmem>>, %arg7: memref<10x64xf32, #tpu.memory_space<vmem>>, %arg8: memref<5x64xf32, #tpu.memory_space<vmem>>, %arg9: memref<256x64xf32, #tpu.memory_space<vmem>>, %arg10: memref<1x64xf32, #tpu.memory_space<vmem>>, %arg11: memref<1x64xf32, #tpu.memory_space<vmem>>, %arg12: memref<1x64xf32, #tpu.memory_space<vmem>>, %arg13: memref<4096x64xf32, #tpu.memory_space<vmem>>, %arg14: memref<48x64xbf16, #tpu.memory_space<vmem>>, %arg15: memref<48x64xbf16, #tpu.memory_space<vmem>>) attributes {dimension_semantics = [#tpu.dimension_semantics<arbitrary>], iteration_bounds = array<i64: 3>, scalar_prefetch = 0 : i64, scratch_operands = 2 : i64, tpu.core_type = #tpu.core_type<tc>, window_params = [{transform_indices = @transform_0, window_bounds = array<i64: 1, 1, 4096>}, {transform_indices = @transform_1, window_bounds = array<i64: 1, 1, 4096>}, {transform_indices = @transform_2, window_bounds = array<i64: 1, 1, 4096>}, {transform_indices = @transform_3, window_bounds = array<i64: 1, 1, 4096>}, {pipeline_mode = #tpu.pipeline_mode<synchronous>, transform_indices = @transform_4, window_bounds = array<i64: 24, 64>}, {pipeline_mode = #tpu.pipeline_mode<synchronous>, transform_indices = @transform_5, window_bounds = array<i64: 7, 64>}, {pipeline_mode = #tpu.pipeline_mode<synchronous>, transform_indices = @transform_6, window_bounds = array<i64: 10, 64>}, {pipeline_mode = #tpu.pipeline_mode<synchronous>, transform_indices = @transform_7, window_bounds = array<i64: 5, 64>}, {pipeline_mode = #tpu.pipeline_mode<synchronous>, transform_indices = @transform_8, window_bounds = array<i64: 256, 64>}, {pipeline_mode = #tpu.pipeline_mode<synchronous>, transform_indices = @transform_9, window_bounds = array<i64: 1, 64>}, {pipeline_mode = #tpu.pipeline_mode<synchronous>, transform_indices = @transform_10, window_bounds = array<i64: 1, 64>}, {pipeline_mode = #tpu.pipeline_mode<synchronous>, transform_indices = @transform_11, window_bounds = array<i64: 1, 64>}, {transform_indices = @transform_12, window_bounds = array<i64: 4096, 64>}]} {
    %eq3A = arith.constant 0 : i32
    %eq3A_0 = arith.cmpi eq, %arg0, %eq3A : i32
    %convert_element_type3A = arith.extui %eq3A_0 : i1 to i32
    %cond3A = arith.constant 0 : i32
    %cond3A_1 = arith.cmpi ne, %convert_element_type3A, %cond3A : i32
    scf.if %cond3A_1 {
      %broadcast_in_dim3A_93 = arith.constant 0.000000e+00 : f32
      %broadcast_in_dim3A_94 = vector.broadcast %broadcast_in_dim3A_93 : f32 to vector<48x64xf32>
      %iota3A_95 = tpu.iota {dimensions = array<i32: 0>} : vector<48x24xi32>
      %sub3A_96 = arith.constant 0 : i32
      %sub3A_97 = vector.broadcast %sub3A_96 : i32 to vector<48x24xi32>
      %sub3A_98 = arith.subi %iota3A_95, %sub3A_97 : vector<48x24xi32>
      %iota3A_99 = tpu.iota {dimensions = array<i32: 1>} : vector<48x24xi32>
      %eq3A_100 = arith.cmpi eq, %sub3A_98, %iota3A_99 : vector<48x24xi32>
      %jit3A_101 = arith.constant 1.000000e+00 : f32
      %jit3A_102 = arith.constant 0.000000e+00 : f32
      %broadcast_in_dim3A_103 = vector.broadcast %jit3A_101 : f32 to vector<48x24xf32>
      %broadcast_in_dim3A_104 = vector.broadcast %jit3A_102 : f32 to vector<48x24xf32>
      %select_n3A_105 = arith.select %eq3A_100, %broadcast_in_dim3A_103, %broadcast_in_dim3A_104 : vector<48x24xi1>, vector<48x24xf32>
      %get3A_106 = arith.constant 0 : index
      %get3A_107 = arith.constant 0 : index
      %get3A_108 = vector.load %arg5[%get3A_106, %get3A_107] : memref<24x64xf32, #tpu.memory_space<vmem>>, vector<24x64xf32>
      %dot_general3A_109 = arith.constant dense<0.000000e+00> : vector<48x64xf32>
      %dot_general3A_110 = tpu.matmul %select_n3A_105, %get3A_108, %dot_general3A_109 {dimension_numbers = #tpu.dot_dimension_numbers<[1], [0], [0], [1], [0, 0, 1, 1], [], []>, transpose_lhs_hint = false} : vector<48x24xf32>, vector<24x64xf32>, vector<48x64xf32> -> vector<48x64xf32>
      %get3A_111 = arith.constant 0 : index
      %get3A_112 = arith.constant 0 : index
      %get3A_113 = vector.load %arg9[%get3A_111, %get3A_112] : memref<256x64xf32, #tpu.memory_space<vmem>>, vector<64x64xf32>
      %dot_general3A_114 = arith.constant dense<0.000000e+00> : vector<48x64xf32>
      %dot_general3A_115 = tpu.matmul %dot_general3A_110, %get3A_113, %dot_general3A_114 {dimension_numbers = #tpu.dot_dimension_numbers<[1], [0], [0], [1], [0, 0, 1, 1], [], []>, transpose_lhs_hint = false} : vector<48x64xf32>, vector<64x64xf32>, vector<48x64xf32> -> vector<48x64xf32>
      %add3A_116 = arith.addf %broadcast_in_dim3A_94, %dot_general3A_115 : vector<48x64xf32>
      %iota3A_117 = tpu.iota {dimensions = array<i32: 0>} : vector<48x7xi32>
      %sub3A_118 = arith.constant 24 : i32
      %sub3A_119 = vector.broadcast %sub3A_118 : i32 to vector<48x7xi32>
      %sub3A_120 = arith.subi %iota3A_117, %sub3A_119 : vector<48x7xi32>
      %iota3A_121 = tpu.iota {dimensions = array<i32: 1>} : vector<48x7xi32>
      %eq3A_122 = arith.cmpi eq, %sub3A_120, %iota3A_121 : vector<48x7xi32>
      %jit3A_123 = arith.constant 1.000000e+00 : f32
      %jit3A_124 = arith.constant 0.000000e+00 : f32
      %broadcast_in_dim3A_125 = vector.broadcast %jit3A_123 : f32 to vector<48x7xf32>
      %broadcast_in_dim3A_126 = vector.broadcast %jit3A_124 : f32 to vector<48x7xf32>
      %select_n3A_127 = arith.select %eq3A_122, %broadcast_in_dim3A_125, %broadcast_in_dim3A_126 : vector<48x7xi1>, vector<48x7xf32>
      %get3A_128 = arith.constant 0 : index
      %get3A_129 = arith.constant 0 : index
      %get3A_130 = vector.load %arg6[%get3A_128, %get3A_129] : memref<7x64xf32, #tpu.memory_space<vmem>>, vector<7x64xf32>
      %dot_general3A_131 = arith.constant dense<0.000000e+00> : vector<48x64xf32>
      %dot_general3A_132 = tpu.matmul %select_n3A_127, %get3A_130, %dot_general3A_131 {dimension_numbers = #tpu.dot_dimension_numbers<[1], [0], [0], [1], [0, 0, 1, 1], [], []>, transpose_lhs_hint = false} : vector<48x7xf32>, vector<7x64xf32>, vector<48x64xf32> -> vector<48x64xf32>
      %get3A_133 = arith.constant 64 : index
      %get3A_134 = arith.constant 0 : index
      %get3A_135 = vector.load %arg9[%get3A_133, %get3A_134] : memref<256x64xf32, #tpu.memory_space<vmem>>, vector<64x64xf32>
      %dot_general3A_136 = arith.constant dense<0.000000e+00> : vector<48x64xf32>
      %dot_general3A_137 = tpu.matmul %dot_general3A_132, %get3A_135, %dot_general3A_136 {dimension_numbers = #tpu.dot_dimension_numbers<[1], [0], [0], [1], [0, 0, 1, 1], [], []>, transpose_lhs_hint = false} : vector<48x64xf32>, vector<64x64xf32>, vector<48x64xf32> -> vector<48x64xf32>
      %add3A_138 = arith.addf %add3A_116, %dot_general3A_137 : vector<48x64xf32>
      %iota3A_139 = tpu.iota {dimensions = array<i32: 0>} : vector<48x10xi32>
      %sub3A_140 = arith.constant 31 : i32
      %sub3A_141 = vector.broadcast %sub3A_140 : i32 to vector<48x10xi32>
      %sub3A_142 = arith.subi %iota3A_139, %sub3A_141 : vector<48x10xi32>
      %iota3A_143 = tpu.iota {dimensions = array<i32: 1>} : vector<48x10xi32>
      %eq3A_144 = arith.cmpi eq, %sub3A_142, %iota3A_143 : vector<48x10xi32>
      %jit3A_145 = arith.constant 1.000000e+00 : f32
      %jit3A_146 = arith.constant 0.000000e+00 : f32
      %broadcast_in_dim3A_147 = vector.broadcast %jit3A_145 : f32 to vector<48x10xf32>
      %broadcast_in_dim3A_148 = vector.broadcast %jit3A_146 : f32 to vector<48x10xf32>
      %select_n3A_149 = arith.select %eq3A_144, %broadcast_in_dim3A_147, %broadcast_in_dim3A_148 : vector<48x10xi1>, vector<48x10xf32>
      %get3A_150 = arith.constant 0 : index
      %get3A_151 = arith.constant 0 : index
      %get3A_152 = vector.load %arg7[%get3A_150, %get3A_151] : memref<10x64xf32, #tpu.memory_space<vmem>>, vector<10x64xf32>
      %dot_general3A_153 = arith.constant dense<0.000000e+00> : vector<48x64xf32>
      %dot_general3A_154 = tpu.matmul %select_n3A_149, %get3A_152, %dot_general3A_153 {dimension_numbers = #tpu.dot_dimension_numbers<[1], [0], [0], [1], [0, 0, 1, 1], [], []>, transpose_lhs_hint = false} : vector<48x10xf32>, vector<10x64xf32>, vector<48x64xf32> -> vector<48x64xf32>
      %get3A_155 = arith.constant 128 : index
      %get3A_156 = arith.constant 0 : index
      %get3A_157 = vector.load %arg9[%get3A_155, %get3A_156] : memref<256x64xf32, #tpu.memory_space<vmem>>, vector<64x64xf32>
      %dot_general3A_158 = arith.constant dense<0.000000e+00> : vector<48x64xf32>
      %dot_general3A_159 = tpu.matmul %dot_general3A_154, %get3A_157, %dot_general3A_158 {dimension_numbers = #tpu.dot_dimension_numbers<[1], [0], [0], [1], [0, 0, 1, 1], [], []>, transpose_lhs_hint = false} : vector<48x64xf32>, vector<64x64xf32>, vector<48x64xf32> -> vector<48x64xf32>
      %add3A_160 = arith.addf %add3A_138, %dot_general3A_159 : vector<48x64xf32>
      %iota3A_161 = tpu.iota {dimensions = array<i32: 0>} : vector<48x5xi32>
      %sub3A_162 = arith.constant 41 : i32
      %sub3A_163 = vector.broadcast %sub3A_162 : i32 to vector<48x5xi32>
      %sub3A_164 = arith.subi %iota3A_161, %sub3A_163 : vector<48x5xi32>
      %iota3A_165 = tpu.iota {dimensions = array<i32: 1>} : vector<48x5xi32>
      %eq3A_166 = arith.cmpi eq, %sub3A_164, %iota3A_165 : vector<48x5xi32>
      %jit3A_167 = arith.constant 1.000000e+00 : f32
      %jit3A_168 = arith.constant 0.000000e+00 : f32
      %broadcast_in_dim3A_169 = vector.broadcast %jit3A_167 : f32 to vector<48x5xf32>
      %broadcast_in_dim3A_170 = vector.broadcast %jit3A_168 : f32 to vector<48x5xf32>
      %select_n3A_171 = arith.select %eq3A_166, %broadcast_in_dim3A_169, %broadcast_in_dim3A_170 : vector<48x5xi1>, vector<48x5xf32>
      %get3A_172 = arith.constant 0 : index
      %get3A_173 = arith.constant 0 : index
      %get3A_174 = vector.load %arg8[%get3A_172, %get3A_173] : memref<5x64xf32, #tpu.memory_space<vmem>>, vector<5x64xf32>
      %dot_general3A_175 = arith.constant dense<0.000000e+00> : vector<48x64xf32>
      %dot_general3A_176 = tpu.matmul %select_n3A_171, %get3A_174, %dot_general3A_175 {dimension_numbers = #tpu.dot_dimension_numbers<[1], [0], [0], [1], [0, 0, 1, 1], [], []>, transpose_lhs_hint = false} : vector<48x5xf32>, vector<5x64xf32>, vector<48x64xf32> -> vector<48x64xf32>
      %get3A_177 = arith.constant 192 : index
      %get3A_178 = arith.constant 0 : index
      %get3A_179 = vector.load %arg9[%get3A_177, %get3A_178] : memref<256x64xf32, #tpu.memory_space<vmem>>, vector<64x64xf32>
      %dot_general3A_180 = arith.constant dense<0.000000e+00> : vector<48x64xf32>
      %dot_general3A_181 = tpu.matmul %dot_general3A_176, %get3A_179, %dot_general3A_180 {dimension_numbers = #tpu.dot_dimension_numbers<[1], [0], [0], [1], [0, 0, 1, 1], [], []>, transpose_lhs_hint = false} : vector<48x64xf32>, vector<64x64xf32>, vector<48x64xf32> -> vector<48x64xf32>
      %add3A_182 = arith.addf %add3A_160, %dot_general3A_181 : vector<48x64xf32>
      %reduce_sum3A = arith.constant dense<0.000000e+00> : vector<48xf32>
      %reduce_sum3A_183 = vector.multi_reduction <add>, %add3A_182, %reduce_sum3A [1] : vector<48x64xf32> to vector<48xf32>
      %broadcast_in_dim3A_184 = vector.shape_cast %reduce_sum3A_183 : vector<48xf32> to vector<48x1xf32>
      %div3A = arith.constant 6.400000e+01 : f32
      %div3A_185 = vector.broadcast %div3A : f32 to vector<48x1xf32>
      %div3A_186 = arith.divf %broadcast_in_dim3A_184, %div3A_185 : vector<48x1xf32>
      %sub3A_187 = vector.broadcast %div3A_186 : vector<48x1xf32> to vector<48x64xf32>
      %sub3A_188 = arith.subf %add3A_182, %sub3A_187 : vector<48x64xf32>
      %iota3A_189 = tpu.iota {dimensions = array<i32: 0>} : vector<48x64xi32>
      %get3A_190 = arith.constant 0 : index
      %get3A_191 = arith.constant 0 : index
      %get3A_192 = vector.load %arg10[%get3A_190, %get3A_191] : memref<1x64xf32, #tpu.memory_space<vmem>>, vector<1x64xf32>
      %get3A_193 = arith.constant 0 : index
      %get3A_194 = arith.constant 0 : index
      %get3A_195 = vector.load %arg10[%get3A_193, %get3A_194] : memref<1x64xf32, #tpu.memory_space<vmem>>, vector<1x64xf32>
      %reduce_sum3A_196 = vector.shape_cast %get3A_195 : vector<1x64xf32> to vector<1x1x64xf32>
      %reduce_sum3A_197 = arith.constant dense<0.000000e+00> : vector<1xf32>
      %reduce_sum3A_198 = vector.multi_reduction <add>, %reduce_sum3A_196, %reduce_sum3A_197 [1, 2] : vector<1x1x64xf32> to vector<1xf32>
      %reduce_sum3A_199 = vector.shape_cast %reduce_sum3A_198 : vector<1xf32> to vector<1x1x1xf32>
      %reduce_sum3A_200 = vector.extract %reduce_sum3A_199[0, 0, 0] : f32 from vector<1x1x1xf32>
      %div3A_201 = arith.constant 6.400000e+01 : f32
      %div3A_202 = arith.divf %reduce_sum3A_200, %div3A_201 : f32
      %sub3A_203 = vector.broadcast %div3A_202 : f32 to vector<1x64xf32>
      %sub3A_204 = arith.subf %get3A_192, %sub3A_203 : vector<1x64xf32>
      %ge3A = arith.constant 41 : i32
      %ge3A_205 = vector.broadcast %ge3A : i32 to vector<48x64xi32>
      %ge3A_206 = arith.cmpi sge, %iota3A_189, %ge3A_205 : vector<48x64xi32>
      %lt3A = arith.constant 46 : i32
      %lt3A_207 = vector.broadcast %lt3A : i32 to vector<48x64xi32>
      %lt3A_208 = arith.cmpi slt, %iota3A_189, %lt3A_207 : vector<48x64xi32>
      %and3A = arith.andi %ge3A_206, %lt3A_208 : vector<48x64xi1>
      %add3A_209 = vector.broadcast %sub3A_204 : vector<1x64xf32> to vector<48x64xf32>
      %add3A_210 = arith.addf %sub3A_188, %add3A_209 : vector<48x64xf32>
      %select_n3A_211 = arith.select %and3A, %add3A_210, %sub3A_188 : vector<48x64xi1>, vector<48x64xf32>
      %convert_element_type3A_212 = arith.truncf %select_n3A_211 : vector<48x64xf32> to vector<48x64xbf16>
      %convert_element_type3A_213 = arith.extf %convert_element_type3A_212 : vector<48x64xbf16> to vector<48x64xf32>
      %sub3A_214 = arith.subf %select_n3A_211, %convert_element_type3A_213 : vector<48x64xf32>
      %convert_element_type3A_215 = arith.truncf %sub3A_214 : vector<48x64xf32> to vector<48x64xbf16>
      %swap3A_216 = arith.constant 0 : index
      %swap3A_217 = arith.constant 0 : index
      %swap3A_218 = vector.load %arg14[%swap3A_216, %swap3A_217] : memref<48x64xbf16, #tpu.memory_space<vmem>>, vector<48x64xbf16>
      tpu.vector_store %arg14[%swap3A_216, %swap3A_217], %convert_element_type3A_212 {strides = array<i32>} : memref<48x64xbf16, #tpu.memory_space<vmem>>, vector<48x64xbf16>,
      %swap3A_219 = arith.constant 0 : index
      %swap3A_220 = arith.constant 0 : index
      %swap3A_221 = vector.load %arg15[%swap3A_219, %swap3A_220] : memref<48x64xbf16, #tpu.memory_space<vmem>>, vector<48x64xbf16>
      tpu.vector_store %arg15[%swap3A_219, %swap3A_220], %convert_element_type3A_215 {strides = array<i32>} : memref<48x64xbf16, #tpu.memory_space<vmem>>, vector<48x64xbf16>,
    } else {
    }
    %get3A = arith.constant 0 : index
    %get3A_2 = arith.constant 0 : index
    %get3A_3 = vector.load %arg14[%get3A, %get3A_2] : memref<48x64xbf16, #tpu.memory_space<vmem>>, vector<48x64xbf16>
    %get3A_4 = arith.constant 0 : index
    %get3A_5 = arith.constant 0 : index
    %get3A_6 = vector.load %arg15[%get3A_4, %get3A_5] : memref<48x64xbf16, #tpu.memory_space<vmem>>, vector<48x64xbf16>
    %iota3A = tpu.iota {dimensions = array<i32: 0>} : vector<48x4096xi32>
    %convert_element_type3A_7 = arith.sitofp %iota3A : vector<48x4096xi32> to vector<48x4096xbf16>
    %get3A_8 = arith.constant 0 : index
    %get3A_9 = arith.constant 0 : index
    %get3A_10 = arith.constant 0 : index
    %get3A_11 = vector.load %arg1[%get3A_8, %get3A_9, %get3A_10] : memref<1x1x4096xi32, #tpu.memory_space<vmem>>, vector<1x1x4096xi32>
    %get3A_12 = vector.shape_cast %get3A_11 : vector<1x1x4096xi32> to vector<1x4096xi32>
    %convert_element_type3A_13 = arith.sitofp %get3A_12 : vector<1x4096xi32> to vector<1x4096xbf16>
    %eq3A_14 = vector.broadcast %convert_element_type3A_13 : vector<1x4096xbf16> to vector<48x4096xbf16>
    %eq3A_15 = arith.cmpf oeq, %convert_element_type3A_7, %eq3A_14 : vector<48x4096xbf16>
    %jit3A = arith.constant 1.000000e+00 : bf16
    %jit3A_16 = arith.constant 0.000000e+00 : bf16
    %broadcast_in_dim3A = vector.broadcast %jit3A : bf16 to vector<48x4096xbf16>
    %broadcast_in_dim3A_17 = vector.broadcast %jit3A_16 : bf16 to vector<48x4096xbf16>
    %select_n3A = arith.select %eq3A_15, %broadcast_in_dim3A, %broadcast_in_dim3A_17 : vector<48x4096xi1>, vector<48x4096xbf16>
    %sub3A = arith.constant 2.400000e+01 : bf16
    %sub3A_18 = vector.broadcast %sub3A : bf16 to vector<48x4096xbf16>
    %sub3A_19 = arith.subf %convert_element_type3A_7, %sub3A_18 : vector<48x4096xbf16>
    %get3A_20 = arith.constant 0 : index
    %get3A_21 = arith.constant 0 : index
    %get3A_22 = arith.constant 0 : index
    %get3A_23 = vector.load %arg2[%get3A_20, %get3A_21, %get3A_22] : memref<1x1x4096xi32, #tpu.memory_space<vmem>>, vector<1x1x4096xi32>
    %get3A_24 = vector.shape_cast %get3A_23 : vector<1x1x4096xi32> to vector<1x4096xi32>
    %convert_element_type3A_25 = arith.sitofp %get3A_24 : vector<1x4096xi32> to vector<1x4096xbf16>
    %eq3A_26 = vector.broadcast %convert_element_type3A_25 : vector<1x4096xbf16> to vector<48x4096xbf16>
    %eq3A_27 = arith.cmpf oeq, %sub3A_19, %eq3A_26 : vector<48x4096xbf16>
    %jit3A_28 = arith.constant 1.000000e+00 : bf16
    %jit3A_29 = arith.constant 0.000000e+00 : bf16
    %broadcast_in_dim3A_30 = vector.broadcast %jit3A_28 : bf16 to vector<48x4096xbf16>
    %broadcast_in_dim3A_31 = vector.broadcast %jit3A_29 : bf16 to vector<48x4096xbf16>
    %select_n3A_32 = arith.select %eq3A_27, %broadcast_in_dim3A_30, %broadcast_in_dim3A_31 : vector<48x4096xi1>, vector<48x4096xbf16>
    %add3A = arith.addf %select_n3A, %select_n3A_32 : vector<48x4096xbf16>
    %sub3A_33 = arith.constant 3.100000e+01 : bf16
    %sub3A_34 = vector.broadcast %sub3A_33 : bf16 to vector<48x4096xbf16>
    %sub3A_35 = arith.subf %convert_element_type3A_7, %sub3A_34 : vector<48x4096xbf16>
    %get3A_36 = arith.constant 0 : index
    %get3A_37 = arith.constant 0 : index
    %get3A_38 = arith.constant 0 : index
    %get3A_39 = vector.load %arg3[%get3A_36, %get3A_37, %get3A_38] : memref<1x1x4096xi32, #tpu.memory_space<vmem>>, vector<1x1x4096xi32>
    %get3A_40 = vector.shape_cast %get3A_39 : vector<1x1x4096xi32> to vector<1x4096xi32>
    %convert_element_type3A_41 = arith.sitofp %get3A_40 : vector<1x4096xi32> to vector<1x4096xbf16>
    %eq3A_42 = vector.broadcast %convert_element_type3A_41 : vector<1x4096xbf16> to vector<48x4096xbf16>
    %eq3A_43 = arith.cmpf oeq, %sub3A_35, %eq3A_42 : vector<48x4096xbf16>
    %jit3A_44 = arith.constant 1.000000e+00 : bf16
    %jit3A_45 = arith.constant 0.000000e+00 : bf16
    %broadcast_in_dim3A_46 = vector.broadcast %jit3A_44 : bf16 to vector<48x4096xbf16>
    %broadcast_in_dim3A_47 = vector.broadcast %jit3A_45 : bf16 to vector<48x4096xbf16>
    %select_n3A_48 = arith.select %eq3A_43, %broadcast_in_dim3A_46, %broadcast_in_dim3A_47 : vector<48x4096xi1>, vector<48x4096xbf16>
    %add3A_49 = arith.addf %add3A, %select_n3A_48 : vector<48x4096xbf16>
    %sub3A_50 = arith.constant 4.100000e+01 : bf16
    %sub3A_51 = vector.broadcast %sub3A_50 : bf16 to vector<48x4096xbf16>
    %sub3A_52 = arith.subf %convert_element_type3A_7, %sub3A_51 : vector<48x4096xbf16>
    %get3A_53 = arith.constant 0 : index
    %get3A_54 = arith.constant 0 : index
    %get3A_55 = arith.constant 0 : index
    %get3A_56 = vector.load %arg4[%get3A_53, %get3A_54, %get3A_55] : memref<1x1x4096xi32, #tpu.memory_space<vmem>>, vector<1x1x4096xi32>
    %get3A_57 = vector.shape_cast %get3A_56 : vector<1x1x4096xi32> to vector<1x4096xi32>
    %convert_element_type3A_58 = arith.sitofp %get3A_57 : vector<1x4096xi32> to vector<1x4096xbf16>
    %eq3A_59 = vector.broadcast %convert_element_type3A_58 : vector<1x4096xbf16> to vector<48x4096xbf16>
    %eq3A_60 = arith.cmpf oeq, %sub3A_52, %eq3A_59 : vector<48x4096xbf16>
    %jit3A_61 = arith.constant 1.000000e+00 : bf16
    %jit3A_62 = arith.constant 0.000000e+00 : bf16
    %broadcast_in_dim3A_63 = vector.broadcast %jit3A_61 : bf16 to vector<48x4096xbf16>
    %broadcast_in_dim3A_64 = vector.broadcast %jit3A_62 : bf16 to vector<48x4096xbf16>
    %select_n3A_65 = arith.select %eq3A_60, %broadcast_in_dim3A_63, %broadcast_in_dim3A_64 : vector<48x4096xi1>, vector<48x4096xbf16>
    %add3A_66 = arith.addf %add3A_49, %select_n3A_65 : vector<48x4096xbf16>
    %dot_general3A = arith.constant dense<0.000000e+00> : vector<4096x64xf32>
    %dot_general3A_67 = tpu.matmul %add3A_66, %get3A_3, %dot_general3A {dimension_numbers = #tpu.dot_dimension_numbers<[0], [0], [1], [1], [0, 1, 1, 1], [], []>, transpose_lhs_hint = false} : vector<48x4096xbf16>, vector<48x64xbf16>, vector<4096x64xf32> -> vector<4096x64xf32>
    %dot_general3A_68 = arith.constant dense<0.000000e+00> : vector<4096x64xf32>
    %dot_general3A_69 = tpu.matmul %add3A_66, %get3A_6, %dot_general3A_68 {dimension_numbers = #tpu.dot_dimension_numbers<[0], [0], [1], [1], [0, 1, 1, 1], [], []>, transpose_lhs_hint = false} : vector<48x4096xbf16>, vector<48x64xbf16>, vector<4096x64xf32> -> vector<4096x64xf32>
    %add3A_70 = arith.addf %dot_general3A_67, %dot_general3A_69 : vector<4096x64xf32>
    %mul3A = arith.mulf %add3A_70, %add3A_70 : vector<4096x64xf32>
    %broadcast_in_dim3A_71 = arith.constant 1.562500e-02 : f32
    %broadcast_in_dim3A_72 = vector.broadcast %broadcast_in_dim3A_71 : f32 to vector<64x64xf32>
    %dot_general3A_73 = arith.constant dense<0.000000e+00> : vector<4096x64xf32>
    %dot_general3A_74 = tpu.matmul %mul3A, %broadcast_in_dim3A_72, %dot_general3A_73 {dimension_numbers = #tpu.dot_dimension_numbers<[1], [0], [0], [1], [0, 0, 1, 1], [], []>, transpose_lhs_hint = false} : vector<4096x64xf32>, vector<64x64xf32>, vector<4096x64xf32> -> vector<4096x64xf32>
    %add3A_75 = arith.constant 9.99999974E-6 : f32
    %add3A_76 = vector.broadcast %add3A_75 : f32 to vector<4096x64xf32>
    %add3A_77 = arith.addf %dot_general3A_74, %add3A_76 : vector<4096x64xf32>
    %rsqrt3A = math.rsqrt %add3A_77 : vector<4096x64xf32>
    %get3A_78 = arith.constant 0 : index
    %get3A_79 = arith.constant 0 : index
    %get3A_80 = vector.load %arg11[%get3A_78, %get3A_79] : memref<1x64xf32, #tpu.memory_space<vmem>>, vector<1x64xf32>
    %mul3A_81 = vector.broadcast %get3A_80 : vector<1x64xf32> to vector<4096x64xf32>
    %mul3A_82 = arith.mulf %rsqrt3A, %mul3A_81 : vector<4096x64xf32>
    %mul3A_83 = arith.mulf %add3A_70, %mul3A_82 : vector<4096x64xf32>
    %get3A_84 = arith.constant 0 : index
    %get3A_85 = arith.constant 0 : index
    %get3A_86 = vector.load %arg12[%get3A_84, %get3A_85] : memref<1x64xf32, #tpu.memory_space<vmem>>, vector<1x64xf32>
    %add3A_87 = vector.broadcast %get3A_86 : vector<1x64xf32> to vector<4096x64xf32>
    %add3A_88 = arith.addf %mul3A_83, %add3A_87 : vector<4096x64xf32>
    %max3A = arith.constant 0.000000e+00 : f32
    %max3A_89 = vector.broadcast %max3A : f32 to vector<4096x64xf32>
    %max3A_90 = arith.maximumf %add3A_88, %max3A_89 : vector<4096x64xf32>
    %swap3A = arith.constant 0 : index
    %swap3A_91 = arith.constant 0 : index
    %swap3A_92 = vector.load %arg13[%swap3A, %swap3A_91] : memref<4096x64xf32, #tpu.memory_space<vmem>>, vector<4096x64xf32>
    tpu.vector_store %arg13[%swap3A, %swap3A_91], %max3A_90 {strides = array<i32>} : memref<4096x64xf32, #tpu.memory_space<vmem>>, vector<4096x64xf32>,
    return
  }
  func.func @transform_0(%arg0: i32) -> (i32, i32, i32) {
    %c0_i32 = arith.constant 0 : i32
    %c0_i32_0 = arith.constant 0 : i32
    %c0_i32_1 = arith.constant 0 : i32
    return %arg0, %c0_i32, %c0_i32_0 : i32, i32, i32
  }
  func.func @transform_1(%arg0: i32) -> (i32, i32, i32) {
    %c0_i32 = arith.constant 0 : i32
    %c0_i32_0 = arith.constant 0 : i32
    %c0_i32_1 = arith.constant 0 : i32
    return %arg0, %c0_i32, %c0_i32_0 : i32, i32, i32
  }
  func.func @transform_2(%arg0: i32) -> (i32, i32, i32) {
    %c0_i32 = arith.constant 0 : i32
    %c0_i32_0 = arith.constant 0 : i32
    %c0_i32_1 = arith.constant 0 : i32
    return %arg0, %c0_i32, %c0_i32_0 : i32, i32, i32
  }
  func.func @transform_3(%arg0: i32) -> (i32, i32, i32) {
    %c0_i32 = arith.constant 0 : i32
    %c0_i32_0 = arith.constant 0 : i32
    %c0_i32_1 = arith.constant 0 : i32
    return %arg0, %c0_i32, %c0_i32_0 : i32, i32, i32
  }
  func.func @transform_4(%arg0: i32) -> (i32, i32) {
    %c0_i32 = arith.constant 0 : i32
    %c0_i32_0 = arith.constant 0 : i32
    %c0_i32_1 = arith.constant 0 : i32
    return %c0_i32, %c0_i32_0 : i32, i32
  }
  func.func @transform_5(%arg0: i32) -> (i32, i32) {
    %c0_i32 = arith.constant 0 : i32
    %c0_i32_0 = arith.constant 0 : i32
    %c0_i32_1 = arith.constant 0 : i32
    return %c0_i32, %c0_i32_0 : i32, i32
  }
  func.func @transform_6(%arg0: i32) -> (i32, i32) {
    %c0_i32 = arith.constant 0 : i32
    %c0_i32_0 = arith.constant 0 : i32
    %c0_i32_1 = arith.constant 0 : i32
    return %c0_i32, %c0_i32_0 : i32, i32
  }
  func.func @transform_7(%arg0: i32) -> (i32, i32) {
    %c0_i32 = arith.constant 0 : i32
    %c0_i32_0 = arith.constant 0 : i32
    %c0_i32_1 = arith.constant 0 : i32
    return %c0_i32, %c0_i32_0 : i32, i32
  }
  func.func @transform_8(%arg0: i32) -> (i32, i32) {
    %c0_i32 = arith.constant 0 : i32
    %c0_i32_0 = arith.constant 0 : i32
    %c0_i32_1 = arith.constant 0 : i32
    return %c0_i32, %c0_i32_0 : i32, i32
  }
  func.func @transform_9(%arg0: i32) -> (i32, i32) {
    %c0_i32 = arith.constant 0 : i32
    %c0_i32_0 = arith.constant 0 : i32
    %c0_i32_1 = arith.constant 0 : i32
    return %c0_i32, %c0_i32_0 : i32, i32
  }
  func.func @transform_10(%arg0: i32) -> (i32, i32) {
    %c0_i32 = arith.constant 0 : i32
    %c0_i32_0 = arith.constant 0 : i32
    %c0_i32_1 = arith.constant 0 : i32
    return %c0_i32, %c0_i32_0 : i32, i32
  }
  func.func @transform_11(%arg0: i32) -> (i32, i32) {
    %c0_i32 = arith.constant 0 : i32
    %c0_i32_0 = arith.constant 0 : i32
    %c0_i32_1 = arith.constant 0 : i32
    return %c0_i32, %c0_i32_0 : i32, i32
  }
  func.func @transform_12(%arg0: i32) -> (i32, i32) {
    %c0_i32 = arith.constant 0 : i32
    %c0_i32_0 = arith.constant 0 : i32
    return %arg0, %c0_i32 : i32, i32
  }
}

module attributes {stable_mosaic.version = 14 : i64} {
  func.func @_build_block(%arg0: i32, %arg1: memref<24x64xf32, #tpu.memory_space<vmem>>, %arg2: memref<7x64xf32, #tpu.memory_space<vmem>>, %arg3: memref<10x64xf32, #tpu.memory_space<vmem>>, %arg4: memref<5x64xf32, #tpu.memory_space<vmem>>, %arg5: memref<256x64xf32, #tpu.memory_space<vmem>>, %arg6: memref<1x64xf32, #tpu.memory_space<vmem>>, %arg7: memref<1x64xf32, #tpu.memory_space<vmem>>, %arg8: memref<1x64xf32, #tpu.memory_space<vmem>>, %arg9: memref<2816x128xf32, #tpu.memory_space<vmem>>, %arg10: memref<48x64xbf16, #tpu.memory_space<vmem>>, %arg11: memref<48x64xbf16, #tpu.memory_space<vmem>>) attributes {dimension_semantics = [#tpu.dimension_semantics<arbitrary>], iteration_bounds = array<i64: 3>, scalar_prefetch = 0 : i64, scratch_operands = 2 : i64, tpu.core_type = #tpu.core_type<tc>, window_params = [{pipeline_mode = #tpu.pipeline_mode<synchronous>, transform_indices = @transform_0, window_bounds = array<i64: 24, 64>}, {pipeline_mode = #tpu.pipeline_mode<synchronous>, transform_indices = @transform_1, window_bounds = array<i64: 7, 64>}, {pipeline_mode = #tpu.pipeline_mode<synchronous>, transform_indices = @transform_2, window_bounds = array<i64: 10, 64>}, {pipeline_mode = #tpu.pipeline_mode<synchronous>, transform_indices = @transform_3, window_bounds = array<i64: 5, 64>}, {pipeline_mode = #tpu.pipeline_mode<synchronous>, transform_indices = @transform_4, window_bounds = array<i64: 256, 64>}, {pipeline_mode = #tpu.pipeline_mode<synchronous>, transform_indices = @transform_5, window_bounds = array<i64: 1, 64>}, {pipeline_mode = #tpu.pipeline_mode<synchronous>, transform_indices = @transform_6, window_bounds = array<i64: 1, 64>}, {pipeline_mode = #tpu.pipeline_mode<synchronous>, transform_indices = @transform_7, window_bounds = array<i64: 1, 64>}, {transform_indices = @transform_8, window_bounds = array<i64: 2816, 128>}]} {
    %eq3A = arith.constant 0 : i32
    %eq3A_0 = arith.cmpi eq, %arg0, %eq3A : i32
    %convert_element_type3A = arith.extui %eq3A_0 : i1 to i32
    %cond3A = arith.constant 0 : i32
    %cond3A_1 = arith.cmpi ne, %convert_element_type3A, %cond3A : i32
    scf.if %cond3A_1 {
      %broadcast_in_dim3A_184 = arith.constant 0.000000e+00 : f32
      %broadcast_in_dim3A_185 = vector.broadcast %broadcast_in_dim3A_184 : f32 to vector<48x64xf32>
      %iota3A_186 = tpu.iota {dimensions = array<i32: 0>} : vector<48x24xi32>
      %sub3A_187 = arith.constant 0 : i32
      %sub3A_188 = vector.broadcast %sub3A_187 : i32 to vector<48x24xi32>
      %sub3A_189 = arith.subi %iota3A_186, %sub3A_188 : vector<48x24xi32>
      %iota3A_190 = tpu.iota {dimensions = array<i32: 1>} : vector<48x24xi32>
      %eq3A_191 = arith.cmpi eq, %sub3A_189, %iota3A_190 : vector<48x24xi32>
      %jit3A_192 = arith.constant 1.000000e+00 : f32
      %jit3A_193 = arith.constant 0.000000e+00 : f32
      %broadcast_in_dim3A_194 = vector.broadcast %jit3A_192 : f32 to vector<48x24xf32>
      %broadcast_in_dim3A_195 = vector.broadcast %jit3A_193 : f32 to vector<48x24xf32>
      %select_n3A_196 = arith.select %eq3A_191, %broadcast_in_dim3A_194, %broadcast_in_dim3A_195 : vector<48x24xi1>, vector<48x24xf32>
      %get3A_197 = arith.constant 0 : index
      %get3A_198 = arith.constant 0 : index
      %get3A_199 = vector.load %arg1[%get3A_197, %get3A_198] : memref<24x64xf32, #tpu.memory_space<vmem>>, vector<24x64xf32>
      %dot_general3A_200 = arith.constant dense<0.000000e+00> : vector<48x64xf32>
      %dot_general3A_201 = tpu.matmul %select_n3A_196, %get3A_199, %dot_general3A_200 {dimension_numbers = #tpu.dot_dimension_numbers<[1], [0], [0], [1], [0, 0, 1, 1], [], []>, transpose_lhs_hint = false} : vector<48x24xf32>, vector<24x64xf32>, vector<48x64xf32> -> vector<48x64xf32>
      %get3A_202 = arith.constant 0 : index
      %get3A_203 = arith.constant 0 : index
      %get3A_204 = vector.load %arg5[%get3A_202, %get3A_203] : memref<256x64xf32, #tpu.memory_space<vmem>>, vector<64x64xf32>
      %dot_general3A_205 = arith.constant dense<0.000000e+00> : vector<48x64xf32>
      %dot_general3A_206 = tpu.matmul %dot_general3A_201, %get3A_204, %dot_general3A_205 {dimension_numbers = #tpu.dot_dimension_numbers<[1], [0], [0], [1], [0, 0, 1, 1], [], []>, transpose_lhs_hint = false} : vector<48x64xf32>, vector<64x64xf32>, vector<48x64xf32> -> vector<48x64xf32>
      %add3A_207 = arith.addf %broadcast_in_dim3A_185, %dot_general3A_206 : vector<48x64xf32>
      %iota3A_208 = tpu.iota {dimensions = array<i32: 0>} : vector<48x7xi32>
      %sub3A_209 = arith.constant 24 : i32
      %sub3A_210 = vector.broadcast %sub3A_209 : i32 to vector<48x7xi32>
      %sub3A_211 = arith.subi %iota3A_208, %sub3A_210 : vector<48x7xi32>
      %iota3A_212 = tpu.iota {dimensions = array<i32: 1>} : vector<48x7xi32>
      %eq3A_213 = arith.cmpi eq, %sub3A_211, %iota3A_212 : vector<48x7xi32>
      %jit3A_214 = arith.constant 1.000000e+00 : f32
      %jit3A_215 = arith.constant 0.000000e+00 : f32
      %broadcast_in_dim3A_216 = vector.broadcast %jit3A_214 : f32 to vector<48x7xf32>
      %broadcast_in_dim3A_217 = vector.broadcast %jit3A_215 : f32 to vector<48x7xf32>
      %select_n3A_218 = arith.select %eq3A_213, %broadcast_in_dim3A_216, %broadcast_in_dim3A_217 : vector<48x7xi1>, vector<48x7xf32>
      %get3A_219 = arith.constant 0 : index
      %get3A_220 = arith.constant 0 : index
      %get3A_221 = vector.load %arg2[%get3A_219, %get3A_220] : memref<7x64xf32, #tpu.memory_space<vmem>>, vector<7x64xf32>
      %dot_general3A_222 = arith.constant dense<0.000000e+00> : vector<48x64xf32>
      %dot_general3A_223 = tpu.matmul %select_n3A_218, %get3A_221, %dot_general3A_222 {dimension_numbers = #tpu.dot_dimension_numbers<[1], [0], [0], [1], [0, 0, 1, 1], [], []>, transpose_lhs_hint = false} : vector<48x7xf32>, vector<7x64xf32>, vector<48x64xf32> -> vector<48x64xf32>
      %get3A_224 = arith.constant 64 : index
      %get3A_225 = arith.constant 0 : index
      %get3A_226 = vector.load %arg5[%get3A_224, %get3A_225] : memref<256x64xf32, #tpu.memory_space<vmem>>, vector<64x64xf32>
      %dot_general3A_227 = arith.constant dense<0.000000e+00> : vector<48x64xf32>
      %dot_general3A_228 = tpu.matmul %dot_general3A_223, %get3A_226, %dot_general3A_227 {dimension_numbers = #tpu.dot_dimension_numbers<[1], [0], [0], [1], [0, 0, 1, 1], [], []>, transpose_lhs_hint = false} : vector<48x64xf32>, vector<64x64xf32>, vector<48x64xf32> -> vector<48x64xf32>
      %add3A_229 = arith.addf %add3A_207, %dot_general3A_228 : vector<48x64xf32>
      %iota3A_230 = tpu.iota {dimensions = array<i32: 0>} : vector<48x10xi32>
      %sub3A_231 = arith.constant 31 : i32
      %sub3A_232 = vector.broadcast %sub3A_231 : i32 to vector<48x10xi32>
      %sub3A_233 = arith.subi %iota3A_230, %sub3A_232 : vector<48x10xi32>
      %iota3A_234 = tpu.iota {dimensions = array<i32: 1>} : vector<48x10xi32>
      %eq3A_235 = arith.cmpi eq, %sub3A_233, %iota3A_234 : vector<48x10xi32>
      %jit3A_236 = arith.constant 1.000000e+00 : f32
      %jit3A_237 = arith.constant 0.000000e+00 : f32
      %broadcast_in_dim3A_238 = vector.broadcast %jit3A_236 : f32 to vector<48x10xf32>
      %broadcast_in_dim3A_239 = vector.broadcast %jit3A_237 : f32 to vector<48x10xf32>
      %select_n3A_240 = arith.select %eq3A_235, %broadcast_in_dim3A_238, %broadcast_in_dim3A_239 : vector<48x10xi1>, vector<48x10xf32>
      %get3A_241 = arith.constant 0 : index
      %get3A_242 = arith.constant 0 : index
      %get3A_243 = vector.load %arg3[%get3A_241, %get3A_242] : memref<10x64xf32, #tpu.memory_space<vmem>>, vector<10x64xf32>
      %dot_general3A_244 = arith.constant dense<0.000000e+00> : vector<48x64xf32>
      %dot_general3A_245 = tpu.matmul %select_n3A_240, %get3A_243, %dot_general3A_244 {dimension_numbers = #tpu.dot_dimension_numbers<[1], [0], [0], [1], [0, 0, 1, 1], [], []>, transpose_lhs_hint = false} : vector<48x10xf32>, vector<10x64xf32>, vector<48x64xf32> -> vector<48x64xf32>
      %get3A_246 = arith.constant 128 : index
      %get3A_247 = arith.constant 0 : index
      %get3A_248 = vector.load %arg5[%get3A_246, %get3A_247] : memref<256x64xf32, #tpu.memory_space<vmem>>, vector<64x64xf32>
      %dot_general3A_249 = arith.constant dense<0.000000e+00> : vector<48x64xf32>
      %dot_general3A_250 = tpu.matmul %dot_general3A_245, %get3A_248, %dot_general3A_249 {dimension_numbers = #tpu.dot_dimension_numbers<[1], [0], [0], [1], [0, 0, 1, 1], [], []>, transpose_lhs_hint = false} : vector<48x64xf32>, vector<64x64xf32>, vector<48x64xf32> -> vector<48x64xf32>
      %add3A_251 = arith.addf %add3A_229, %dot_general3A_250 : vector<48x64xf32>
      %iota3A_252 = tpu.iota {dimensions = array<i32: 0>} : vector<48x5xi32>
      %sub3A_253 = arith.constant 41 : i32
      %sub3A_254 = vector.broadcast %sub3A_253 : i32 to vector<48x5xi32>
      %sub3A_255 = arith.subi %iota3A_252, %sub3A_254 : vector<48x5xi32>
      %iota3A_256 = tpu.iota {dimensions = array<i32: 1>} : vector<48x5xi32>
      %eq3A_257 = arith.cmpi eq, %sub3A_255, %iota3A_256 : vector<48x5xi32>
      %jit3A_258 = arith.constant 1.000000e+00 : f32
      %jit3A_259 = arith.constant 0.000000e+00 : f32
      %broadcast_in_dim3A_260 = vector.broadcast %jit3A_258 : f32 to vector<48x5xf32>
      %broadcast_in_dim3A_261 = vector.broadcast %jit3A_259 : f32 to vector<48x5xf32>
      %select_n3A_262 = arith.select %eq3A_257, %broadcast_in_dim3A_260, %broadcast_in_dim3A_261 : vector<48x5xi1>, vector<48x5xf32>
      %get3A_263 = arith.constant 0 : index
      %get3A_264 = arith.constant 0 : index
      %get3A_265 = vector.load %arg4[%get3A_263, %get3A_264] : memref<5x64xf32, #tpu.memory_space<vmem>>, vector<5x64xf32>
      %dot_general3A_266 = arith.constant dense<0.000000e+00> : vector<48x64xf32>
      %dot_general3A_267 = tpu.matmul %select_n3A_262, %get3A_265, %dot_general3A_266 {dimension_numbers = #tpu.dot_dimension_numbers<[1], [0], [0], [1], [0, 0, 1, 1], [], []>, transpose_lhs_hint = false} : vector<48x5xf32>, vector<5x64xf32>, vector<48x64xf32> -> vector<48x64xf32>
      %get3A_268 = arith.constant 192 : index
      %get3A_269 = arith.constant 0 : index
      %get3A_270 = vector.load %arg5[%get3A_268, %get3A_269] : memref<256x64xf32, #tpu.memory_space<vmem>>, vector<64x64xf32>
      %dot_general3A_271 = arith.constant dense<0.000000e+00> : vector<48x64xf32>
      %dot_general3A_272 = tpu.matmul %dot_general3A_267, %get3A_270, %dot_general3A_271 {dimension_numbers = #tpu.dot_dimension_numbers<[1], [0], [0], [1], [0, 0, 1, 1], [], []>, transpose_lhs_hint = false} : vector<48x64xf32>, vector<64x64xf32>, vector<48x64xf32> -> vector<48x64xf32>
      %add3A_273 = arith.addf %add3A_251, %dot_general3A_272 : vector<48x64xf32>
      %reduce_sum3A = arith.constant dense<0.000000e+00> : vector<48xf32>
      %reduce_sum3A_274 = vector.multi_reduction <add>, %add3A_273, %reduce_sum3A [1] : vector<48x64xf32> to vector<48xf32>
      %broadcast_in_dim3A_275 = vector.shape_cast %reduce_sum3A_274 : vector<48xf32> to vector<48x1xf32>
      %div3A_276 = arith.constant 6.400000e+01 : f32
      %div3A_277 = vector.broadcast %div3A_276 : f32 to vector<48x1xf32>
      %div3A_278 = arith.divf %broadcast_in_dim3A_275, %div3A_277 : vector<48x1xf32>
      %sub3A_279 = vector.broadcast %div3A_278 : vector<48x1xf32> to vector<48x64xf32>
      %sub3A_280 = arith.subf %add3A_273, %sub3A_279 : vector<48x64xf32>
      %iota3A_281 = tpu.iota {dimensions = array<i32: 0>} : vector<48x64xi32>
      %get3A_282 = arith.constant 0 : index
      %get3A_283 = arith.constant 0 : index
      %get3A_284 = vector.load %arg6[%get3A_282, %get3A_283] : memref<1x64xf32, #tpu.memory_space<vmem>>, vector<1x64xf32>
      %get3A_285 = arith.constant 0 : index
      %get3A_286 = arith.constant 0 : index
      %get3A_287 = vector.load %arg6[%get3A_285, %get3A_286] : memref<1x64xf32, #tpu.memory_space<vmem>>, vector<1x64xf32>
      %reduce_sum3A_288 = vector.shape_cast %get3A_287 : vector<1x64xf32> to vector<1x1x64xf32>
      %reduce_sum3A_289 = arith.constant dense<0.000000e+00> : vector<1xf32>
      %reduce_sum3A_290 = vector.multi_reduction <add>, %reduce_sum3A_288, %reduce_sum3A_289 [1, 2] : vector<1x1x64xf32> to vector<1xf32>
      %reduce_sum3A_291 = vector.shape_cast %reduce_sum3A_290 : vector<1xf32> to vector<1x1x1xf32>
      %reduce_sum3A_292 = vector.extract %reduce_sum3A_291[0, 0, 0] : f32 from vector<1x1x1xf32>
      %div3A_293 = arith.constant 6.400000e+01 : f32
      %div3A_294 = arith.divf %reduce_sum3A_292, %div3A_293 : f32
      %sub3A_295 = vector.broadcast %div3A_294 : f32 to vector<1x64xf32>
      %sub3A_296 = arith.subf %get3A_284, %sub3A_295 : vector<1x64xf32>
      %ge3A = arith.constant 41 : i32
      %ge3A_297 = vector.broadcast %ge3A : i32 to vector<48x64xi32>
      %ge3A_298 = arith.cmpi sge, %iota3A_281, %ge3A_297 : vector<48x64xi32>
      %lt3A = arith.constant 46 : i32
      %lt3A_299 = vector.broadcast %lt3A : i32 to vector<48x64xi32>
      %lt3A_300 = arith.cmpi slt, %iota3A_281, %lt3A_299 : vector<48x64xi32>
      %and3A_301 = arith.andi %ge3A_298, %lt3A_300 : vector<48x64xi1>
      %add3A_302 = vector.broadcast %sub3A_296 : vector<1x64xf32> to vector<48x64xf32>
      %add3A_303 = arith.addf %sub3A_280, %add3A_302 : vector<48x64xf32>
      %select_n3A_304 = arith.select %and3A_301, %add3A_303, %sub3A_280 : vector<48x64xi1>, vector<48x64xf32>
      %convert_element_type3A_305 = arith.truncf %select_n3A_304 : vector<48x64xf32> to vector<48x64xbf16>
      %convert_element_type3A_306 = arith.extf %convert_element_type3A_305 : vector<48x64xbf16> to vector<48x64xf32>
      %sub3A_307 = arith.subf %select_n3A_304, %convert_element_type3A_306 : vector<48x64xf32>
      %convert_element_type3A_308 = arith.truncf %sub3A_307 : vector<48x64xf32> to vector<48x64xbf16>
      %swap3A_309 = arith.constant 0 : index
      %swap3A_310 = arith.constant 0 : index
      %swap3A_311 = vector.load %arg10[%swap3A_309, %swap3A_310] : memref<48x64xbf16, #tpu.memory_space<vmem>>, vector<48x64xbf16>
      tpu.vector_store %arg10[%swap3A_309, %swap3A_310], %convert_element_type3A_305 {strides = array<i32>} : memref<48x64xbf16, #tpu.memory_space<vmem>>, vector<48x64xbf16>,
      %swap3A_312 = arith.constant 0 : index
      %swap3A_313 = arith.constant 0 : index
      %swap3A_314 = vector.load %arg11[%swap3A_312, %swap3A_313] : memref<48x64xbf16, #tpu.memory_space<vmem>>, vector<48x64xbf16>
      tpu.vector_store %arg11[%swap3A_312, %swap3A_313], %convert_element_type3A_308 {strides = array<i32>} : memref<48x64xbf16, #tpu.memory_space<vmem>>, vector<48x64xbf16>,
    } else {
    }
    %get3A = arith.constant 0 : index
    %get3A_2 = arith.constant 0 : index
    %get3A_3 = vector.load %arg10[%get3A, %get3A_2] : memref<48x64xbf16, #tpu.memory_space<vmem>>, vector<48x64xbf16>
    %get3A_4 = arith.constant 0 : index
    %get3A_5 = arith.constant 0 : index
    %get3A_6 = vector.load %arg11[%get3A_4, %get3A_5] : memref<48x64xbf16, #tpu.memory_space<vmem>>, vector<48x64xbf16>
    %iota3A = tpu.iota {dimensions = array<i32: 1>} : vector<8x2816xi32>
    %mul3A = arith.constant 2816 : i32
    %mul3A_7 = arith.muli %arg0, %mul3A : i32
    %add3A = vector.broadcast %mul3A_7 : i32 to vector<8x2816xi32>
    %add3A_8 = arith.addi %iota3A, %add3A : vector<8x2816xi32>
    %jit3A = arith.constant 350 : i32
    %div3A = vector.broadcast %jit3A : i32 to vector<8x2816xi32>
    %div3A_9 = arith.divsi %add3A_8, %div3A : vector<8x2816xi32>
    %sign3A = arith.constant 0 : i32
    %sign3A_10 = vector.broadcast %sign3A : i32 to vector<8x2816xi32>
    %sign3A_11 = arith.cmpi sgt, %add3A_8, %sign3A_10 : vector<8x2816xi32>
    %sign3A_12 = arith.extui %sign3A_11 : vector<8x2816xi1> to vector<8x2816xi32>
    %sign3A_13 = arith.constant 0 : i32
    %sign3A_14 = vector.broadcast %sign3A_13 : i32 to vector<8x2816xi32>
    %sign3A_15 = arith.cmpi slt, %add3A_8, %sign3A_14 : vector<8x2816xi32>
    %sign3A_16 = arith.extui %sign3A_15 : vector<8x2816xi1> to vector<8x2816xi32>
    %sign3A_17 = arith.subi %sign3A_12, %sign3A_16 : vector<8x2816xi32>
    %sign3A_18 = arith.constant 0 : i32
    %sign3A_19 = arith.cmpi sgt, %jit3A, %sign3A_18 : i32
    %sign3A_20 = arith.extui %sign3A_19 : i1 to i32
    %sign3A_21 = arith.constant 0 : i32
    %sign3A_22 = arith.cmpi slt, %jit3A, %sign3A_21 : i32
    %sign3A_23 = arith.extui %sign3A_22 : i1 to i32
    %sign3A_24 = arith.subi %sign3A_20, %sign3A_23 : i32
    %ne3A = vector.broadcast %sign3A_24 : i32 to vector<8x2816xi32>
    %ne3A_25 = arith.cmpi ne, %sign3A_17, %ne3A : vector<8x2816xi32>
    %rem3A = vector.broadcast %jit3A : i32 to vector<8x2816xi32>
    %rem3A_26 = arith.remsi %add3A_8, %rem3A : vector<8x2816xi32>
    %ne3A_27 = arith.constant 0 : i32
    %ne3A_28 = vector.broadcast %ne3A_27 : i32 to vector<8x2816xi32>
    %ne3A_29 = arith.cmpi ne, %rem3A_26, %ne3A_28 : vector<8x2816xi32>
    %and3A = arith.andi %ne3A_25, %ne3A_29 : vector<8x2816xi1>
    %sub3A = arith.constant 1 : i32
    %sub3A_30 = vector.broadcast %sub3A : i32 to vector<8x2816xi32>
    %sub3A_31 = arith.subi %div3A_9, %sub3A_30 : vector<8x2816xi32>
    %select_n3A = arith.select %and3A, %sub3A_31, %div3A_9 : vector<8x2816xi1>, vector<8x2816xi32>
    %jit3A_32 = arith.constant 50 : i32
    %div3A_33 = vector.broadcast %jit3A_32 : i32 to vector<8x2816xi32>
    %div3A_34 = arith.divsi %add3A_8, %div3A_33 : vector<8x2816xi32>
    %sign3A_35 = arith.constant 0 : i32
    %sign3A_36 = vector.broadcast %sign3A_35 : i32 to vector<8x2816xi32>
    %sign3A_37 = arith.cmpi sgt, %add3A_8, %sign3A_36 : vector<8x2816xi32>
    %sign3A_38 = arith.extui %sign3A_37 : vector<8x2816xi1> to vector<8x2816xi32>
    %sign3A_39 = arith.constant 0 : i32
    %sign3A_40 = vector.broadcast %sign3A_39 : i32 to vector<8x2816xi32>
    %sign3A_41 = arith.cmpi slt, %add3A_8, %sign3A_40 : vector<8x2816xi32>
    %sign3A_42 = arith.extui %sign3A_41 : vector<8x2816xi1> to vector<8x2816xi32>
    %sign3A_43 = arith.subi %sign3A_38, %sign3A_42 : vector<8x2816xi32>
    %sign3A_44 = arith.constant 0 : i32
    %sign3A_45 = arith.cmpi sgt, %jit3A_32, %sign3A_44 : i32
    %sign3A_46 = arith.extui %sign3A_45 : i1 to i32
    %sign3A_47 = arith.constant 0 : i32
    %sign3A_48 = arith.cmpi slt, %jit3A_32, %sign3A_47 : i32
    %sign3A_49 = arith.extui %sign3A_48 : i1 to i32
    %sign3A_50 = arith.subi %sign3A_46, %sign3A_49 : i32
    %ne3A_51 = vector.broadcast %sign3A_50 : i32 to vector<8x2816xi32>
    %ne3A_52 = arith.cmpi ne, %sign3A_43, %ne3A_51 : vector<8x2816xi32>
    %rem3A_53 = vector.broadcast %jit3A_32 : i32 to vector<8x2816xi32>
    %rem3A_54 = arith.remsi %add3A_8, %rem3A_53 : vector<8x2816xi32>
    %ne3A_55 = arith.constant 0 : i32
    %ne3A_56 = vector.broadcast %ne3A_55 : i32 to vector<8x2816xi32>
    %ne3A_57 = arith.cmpi ne, %rem3A_54, %ne3A_56 : vector<8x2816xi32>
    %and3A_58 = arith.andi %ne3A_52, %ne3A_57 : vector<8x2816xi1>
    %sub3A_59 = arith.constant 1 : i32
    %sub3A_60 = vector.broadcast %sub3A_59 : i32 to vector<8x2816xi32>
    %sub3A_61 = arith.subi %div3A_34, %sub3A_60 : vector<8x2816xi32>
    %select_n3A_62 = arith.select %and3A_58, %sub3A_61, %div3A_34 : vector<8x2816xi1>, vector<8x2816xi32>
    %jit3A_63 = arith.constant 5 : i32
    %div3A_64 = vector.broadcast %jit3A_63 : i32 to vector<8x2816xi32>
    %div3A_65 = arith.divsi %add3A_8, %div3A_64 : vector<8x2816xi32>
    %sign3A_66 = arith.constant 0 : i32
    %sign3A_67 = vector.broadcast %sign3A_66 : i32 to vector<8x2816xi32>
    %sign3A_68 = arith.cmpi sgt, %add3A_8, %sign3A_67 : vector<8x2816xi32>
    %sign3A_69 = arith.extui %sign3A_68 : vector<8x2816xi1> to vector<8x2816xi32>
    %sign3A_70 = arith.constant 0 : i32
    %sign3A_71 = vector.broadcast %sign3A_70 : i32 to vector<8x2816xi32>
    %sign3A_72 = arith.cmpi slt, %add3A_8, %sign3A_71 : vector<8x2816xi32>
    %sign3A_73 = arith.extui %sign3A_72 : vector<8x2816xi1> to vector<8x2816xi32>
    %sign3A_74 = arith.subi %sign3A_69, %sign3A_73 : vector<8x2816xi32>
    %sign3A_75 = arith.constant 0 : i32
    %sign3A_76 = arith.cmpi sgt, %jit3A_63, %sign3A_75 : i32
    %sign3A_77 = arith.extui %sign3A_76 : i1 to i32
    %sign3A_78 = arith.constant 0 : i32
    %sign3A_79 = arith.cmpi slt, %jit3A_63, %sign3A_78 : i32
    %sign3A_80 = arith.extui %sign3A_79 : i1 to i32
    %sign3A_81 = arith.subi %sign3A_77, %sign3A_80 : i32
    %ne3A_82 = vector.broadcast %sign3A_81 : i32 to vector<8x2816xi32>
    %ne3A_83 = arith.cmpi ne, %sign3A_74, %ne3A_82 : vector<8x2816xi32>
    %rem3A_84 = vector.broadcast %jit3A_63 : i32 to vector<8x2816xi32>
    %rem3A_85 = arith.remsi %add3A_8, %rem3A_84 : vector<8x2816xi32>
    %ne3A_86 = arith.constant 0 : i32
    %ne3A_87 = vector.broadcast %ne3A_86 : i32 to vector<8x2816xi32>
    %ne3A_88 = arith.cmpi ne, %rem3A_85, %ne3A_87 : vector<8x2816xi32>
    %and3A_89 = arith.andi %ne3A_83, %ne3A_88 : vector<8x2816xi1>
    %sub3A_90 = arith.constant 1 : i32
    %sub3A_91 = vector.broadcast %sub3A_90 : i32 to vector<8x2816xi32>
    %sub3A_92 = arith.subi %div3A_65, %sub3A_91 : vector<8x2816xi32>
    %select_n3A_93 = arith.select %and3A_89, %sub3A_92, %div3A_65 : vector<8x2816xi1>, vector<8x2816xi32>
    %slice3A = vector.extract_strided_slice %select_n3A {offsets = [0, 0], sizes = [1, 2816], strides = [1, 1]} : vector<8x2816xi32> to vector<1x2816xi32>
    %convert_element_type3A_94 = arith.sitofp %slice3A : vector<1x2816xi32> to vector<1x2816xbf16>
    %mul3A_95 = arith.constant 7 : i32
    %mul3A_96 = vector.broadcast %mul3A_95 : i32 to vector<8x2816xi32>
    %mul3A_97 = arith.muli %mul3A_96, %select_n3A : vector<8x2816xi32>
    %sub3A_98 = arith.subi %select_n3A_62, %mul3A_97 : vector<8x2816xi32>
    %add3A_99 = arith.constant 24 : i32
    %add3A_100 = vector.broadcast %add3A_99 : i32 to vector<8x2816xi32>
    %add3A_101 = arith.addi %sub3A_98, %add3A_100 : vector<8x2816xi32>
    %slice3A_102 = vector.extract_strided_slice %add3A_101 {offsets = [0, 0], sizes = [1, 2816], strides = [1, 1]} : vector<8x2816xi32> to vector<1x2816xi32>
    %convert_element_type3A_103 = arith.sitofp %slice3A_102 : vector<1x2816xi32> to vector<1x2816xbf16>
    %mul3A_104 = arith.constant 10 : i32
    %mul3A_105 = vector.broadcast %mul3A_104 : i32 to vector<8x2816xi32>
    %mul3A_106 = arith.muli %mul3A_105, %select_n3A_62 : vector<8x2816xi32>
    %sub3A_107 = arith.subi %select_n3A_93, %mul3A_106 : vector<8x2816xi32>
    %add3A_108 = arith.constant 31 : i32
    %add3A_109 = vector.broadcast %add3A_108 : i32 to vector<8x2816xi32>
    %add3A_110 = arith.addi %sub3A_107, %add3A_109 : vector<8x2816xi32>
    %slice3A_111 = vector.extract_strided_slice %add3A_110 {offsets = [0, 0], sizes = [1, 2816], strides = [1, 1]} : vector<8x2816xi32> to vector<1x2816xi32>
    %convert_element_type3A_112 = arith.sitofp %slice3A_111 : vector<1x2816xi32> to vector<1x2816xbf16>
    %mul3A_113 = arith.constant 5 : i32
    %mul3A_114 = vector.broadcast %mul3A_113 : i32 to vector<8x2816xi32>
    %mul3A_115 = arith.muli %mul3A_114, %select_n3A_93 : vector<8x2816xi32>
    %sub3A_116 = arith.subi %add3A_8, %mul3A_115 : vector<8x2816xi32>
    %add3A_117 = arith.constant 41 : i32
    %add3A_118 = vector.broadcast %add3A_117 : i32 to vector<8x2816xi32>
    %add3A_119 = arith.addi %sub3A_116, %add3A_118 : vector<8x2816xi32>
    %slice3A_120 = vector.extract_strided_slice %add3A_119 {offsets = [0, 0], sizes = [1, 2816], strides = [1, 1]} : vector<8x2816xi32> to vector<1x2816xi32>
    %convert_element_type3A_121 = arith.sitofp %slice3A_120 : vector<1x2816xi32> to vector<1x2816xbf16>
    %iota3A_122 = tpu.iota {dimensions = array<i32: 0>} : vector<48x2816xi32>
    %convert_element_type3A_123 = arith.sitofp %iota3A_122 : vector<48x2816xi32> to vector<48x2816xbf16>
    %eq3A_124 = vector.broadcast %convert_element_type3A_94 : vector<1x2816xbf16> to vector<48x2816xbf16>
    %eq3A_125 = arith.cmpf oeq, %convert_element_type3A_123, %eq3A_124 : vector<48x2816xbf16>
    %jit3A_126 = arith.constant 1.000000e+00 : bf16
    %jit3A_127 = arith.constant 0.000000e+00 : bf16
    %broadcast_in_dim3A = vector.broadcast %jit3A_126 : bf16 to vector<48x2816xbf16>
    %broadcast_in_dim3A_128 = vector.broadcast %jit3A_127 : bf16 to vector<48x2816xbf16>
    %select_n3A_129 = arith.select %eq3A_125, %broadcast_in_dim3A, %broadcast_in_dim3A_128 : vector<48x2816xi1>, vector<48x2816xbf16>
    %eq3A_130 = vector.broadcast %convert_element_type3A_103 : vector<1x2816xbf16> to vector<48x2816xbf16>
    %eq3A_131 = arith.cmpf oeq, %convert_element_type3A_123, %eq3A_130 : vector<48x2816xbf16>
    %jit3A_132 = arith.constant 1.000000e+00 : bf16
    %jit3A_133 = arith.constant 0.000000e+00 : bf16
    %broadcast_in_dim3A_134 = vector.broadcast %jit3A_132 : bf16 to vector<48x2816xbf16>
    %broadcast_in_dim3A_135 = vector.broadcast %jit3A_133 : bf16 to vector<48x2816xbf16>
    %select_n3A_136 = arith.select %eq3A_131, %broadcast_in_dim3A_134, %broadcast_in_dim3A_135 : vector<48x2816xi1>, vector<48x2816xbf16>
    %add3A_137 = arith.addf %select_n3A_129, %select_n3A_136 : vector<48x2816xbf16>
    %eq3A_138 = vector.broadcast %convert_element_type3A_112 : vector<1x2816xbf16> to vector<48x2816xbf16>
    %eq3A_139 = arith.cmpf oeq, %convert_element_type3A_123, %eq3A_138 : vector<48x2816xbf16>
    %jit3A_140 = arith.constant 1.000000e+00 : bf16
    %jit3A_141 = arith.constant 0.000000e+00 : bf16
    %broadcast_in_dim3A_142 = vector.broadcast %jit3A_140 : bf16 to vector<48x2816xbf16>
    %broadcast_in_dim3A_143 = vector.broadcast %jit3A_141 : bf16 to vector<48x2816xbf16>
    %select_n3A_144 = arith.select %eq3A_139, %broadcast_in_dim3A_142, %broadcast_in_dim3A_143 : vector<48x2816xi1>, vector<48x2816xbf16>
    %add3A_145 = arith.addf %add3A_137, %select_n3A_144 : vector<48x2816xbf16>
    %eq3A_146 = vector.broadcast %convert_element_type3A_121 : vector<1x2816xbf16> to vector<48x2816xbf16>
    %eq3A_147 = arith.cmpf oeq, %convert_element_type3A_123, %eq3A_146 : vector<48x2816xbf16>
    %jit3A_148 = arith.constant 1.000000e+00 : bf16
    %jit3A_149 = arith.constant 0.000000e+00 : bf16
    %broadcast_in_dim3A_150 = vector.broadcast %jit3A_148 : bf16 to vector<48x2816xbf16>
    %broadcast_in_dim3A_151 = vector.broadcast %jit3A_149 : bf16 to vector<48x2816xbf16>
    %select_n3A_152 = arith.select %eq3A_147, %broadcast_in_dim3A_150, %broadcast_in_dim3A_151 : vector<48x2816xi1>, vector<48x2816xbf16>
    %add3A_153 = arith.addf %add3A_145, %select_n3A_152 : vector<48x2816xbf16>
    %dot_general3A = arith.constant dense<0.000000e+00> : vector<2816x64xf32>
    %dot_general3A_154 = tpu.matmul %add3A_153, %get3A_3, %dot_general3A {dimension_numbers = #tpu.dot_dimension_numbers<[0], [0], [1], [1], [0, 1, 1, 1], [], []>, transpose_lhs_hint = false} : vector<48x2816xbf16>, vector<48x64xbf16>, vector<2816x64xf32> -> vector<2816x64xf32>
    %dot_general3A_155 = arith.constant dense<0.000000e+00> : vector<2816x64xf32>
    %dot_general3A_156 = tpu.matmul %add3A_153, %get3A_6, %dot_general3A_155 {dimension_numbers = #tpu.dot_dimension_numbers<[0], [0], [1], [1], [0, 1, 1, 1], [], []>, transpose_lhs_hint = false} : vector<48x2816xbf16>, vector<48x64xbf16>, vector<2816x64xf32> -> vector<2816x64xf32>
    %add3A_157 = arith.addf %dot_general3A_154, %dot_general3A_156 : vector<2816x64xf32>
    %mul3A_158 = arith.mulf %add3A_157, %add3A_157 : vector<2816x64xf32>
    %broadcast_in_dim3A_159 = arith.constant 1.562500e-02 : f32
    %broadcast_in_dim3A_160 = vector.broadcast %broadcast_in_dim3A_159 : f32 to vector<64x64xf32>
    %dot_general3A_161 = arith.constant dense<0.000000e+00> : vector<2816x64xf32>
    %dot_general3A_162 = tpu.matmul %mul3A_158, %broadcast_in_dim3A_160, %dot_general3A_161 {dimension_numbers = #tpu.dot_dimension_numbers<[1], [0], [0], [1], [0, 0, 1, 1], [], []>, transpose_lhs_hint = false} : vector<2816x64xf32>, vector<64x64xf32>, vector<2816x64xf32> -> vector<2816x64xf32>
    %add3A_163 = arith.constant 9.99999974E-6 : f32
    %add3A_164 = vector.broadcast %add3A_163 : f32 to vector<2816x64xf32>
    %add3A_165 = arith.addf %dot_general3A_162, %add3A_164 : vector<2816x64xf32>
    %rsqrt3A = math.rsqrt %add3A_165 : vector<2816x64xf32>
    %get3A_166 = arith.constant 0 : index
    %get3A_167 = arith.constant 0 : index
    %get3A_168 = vector.load %arg7[%get3A_166, %get3A_167] : memref<1x64xf32, #tpu.memory_space<vmem>>, vector<1x64xf32>
    %mul3A_169 = vector.broadcast %get3A_168 : vector<1x64xf32> to vector<2816x64xf32>
    %mul3A_170 = arith.mulf %rsqrt3A, %mul3A_169 : vector<2816x64xf32>
    %mul3A_171 = arith.mulf %add3A_157, %mul3A_170 : vector<2816x64xf32>
    %get3A_172 = arith.constant 0 : index
    %get3A_173 = arith.constant 0 : index
    %get3A_174 = vector.load %arg8[%get3A_172, %get3A_173] : memref<1x64xf32, #tpu.memory_space<vmem>>, vector<1x64xf32>
    %add3A_175 = vector.broadcast %get3A_174 : vector<1x64xf32> to vector<2816x64xf32>
    %add3A_176 = arith.addf %mul3A_171, %add3A_175 : vector<2816x64xf32>
    %max3A = arith.constant 0.000000e+00 : f32
    %max3A_177 = vector.broadcast %max3A : f32 to vector<2816x64xf32>
    %max3A_178 = arith.maximumf %add3A_176, %max3A_177 : vector<2816x64xf32>
    %swap3A = arith.constant 0 : index
    %swap3A_179 = arith.constant 0 : index
    %swap3A_180 = vector.load %arg9[%swap3A, %swap3A_179] : memref<2816x128xf32, #tpu.memory_space<vmem>>, vector<2816x64xf32>
    tpu.vector_store %arg9[%swap3A, %swap3A_179], %max3A_178 {strides = array<i32>} : memref<2816x128xf32, #tpu.memory_space<vmem>>, vector<2816x64xf32>,
    %swap3A_181 = arith.constant 0 : index
    %swap3A_182 = arith.constant 64 : index
    %swap3A_183 = vector.load %arg9[%swap3A_181, %swap3A_182] : memref<2816x128xf32, #tpu.memory_space<vmem>>, vector<2816x64xf32>
    tpu.vector_store %arg9[%swap3A_181, %swap3A_182], %max3A_178 {strides = array<i32>} : memref<2816x128xf32, #tpu.memory_space<vmem>>, vector<2816x64xf32>,
    return
  }
  func.func @transform_0(%arg0: i32) -> (i32, i32) {
    %c0_i32 = arith.constant 0 : i32
    %c0_i32_0 = arith.constant 0 : i32
    %c0_i32_1 = arith.constant 0 : i32
    return %c0_i32, %c0_i32_0 : i32, i32
  }
  func.func @transform_1(%arg0: i32) -> (i32, i32) {
    %c0_i32 = arith.constant 0 : i32
    %c0_i32_0 = arith.constant 0 : i32
    %c0_i32_1 = arith.constant 0 : i32
    return %c0_i32, %c0_i32_0 : i32, i32
  }
  func.func @transform_2(%arg0: i32) -> (i32, i32) {
    %c0_i32 = arith.constant 0 : i32
    %c0_i32_0 = arith.constant 0 : i32
    %c0_i32_1 = arith.constant 0 : i32
    return %c0_i32, %c0_i32_0 : i32, i32
  }
  func.func @transform_3(%arg0: i32) -> (i32, i32) {
    %c0_i32 = arith.constant 0 : i32
    %c0_i32_0 = arith.constant 0 : i32
    %c0_i32_1 = arith.constant 0 : i32
    return %c0_i32, %c0_i32_0 : i32, i32
  }
  func.func @transform_4(%arg0: i32) -> (i32, i32) {
    %c0_i32 = arith.constant 0 : i32
    %c0_i32_0 = arith.constant 0 : i32
    %c0_i32_1 = arith.constant 0 : i32
    return %c0_i32, %c0_i32_0 : i32, i32
  }
  func.func @transform_5(%arg0: i32) -> (i32, i32) {
    %c0_i32 = arith.constant 0 : i32
    %c0_i32_0 = arith.constant 0 : i32
    %c0_i32_1 = arith.constant 0 : i32
    return %c0_i32, %c0_i32_0 : i32, i32
  }
  func.func @transform_6(%arg0: i32) -> (i32, i32) {
    %c0_i32 = arith.constant 0 : i32
    %c0_i32_0 = arith.constant 0 : i32
    %c0_i32_1 = arith.constant 0 : i32
    return %c0_i32, %c0_i32_0 : i32, i32
  }
  func.func @transform_7(%arg0: i32) -> (i32, i32) {
    %c0_i32 = arith.constant 0 : i32
    %c0_i32_0 = arith.constant 0 : i32
    %c0_i32_1 = arith.constant 0 : i32
    return %c0_i32, %c0_i32_0 : i32, i32
  }
  func.func @transform_8(%arg0: i32) -> (i32, i32) {
    %c0_i32 = arith.constant 0 : i32
    %c0_i32_0 = arith.constant 0 : i32
    return %arg0, %c0_i32 : i32, i32
  }
}

</mosaic_0001>

<sc_bundles>
// kernel: kernel.6.cloned.1.call-start
scs
__scs_entry_jumppad:
0x0: {  	(pc) =	sbr.rel $0x88, $3  }
0x1: {  	(tag) =	ssettag $0x0;
	lr =	simm.s32 $0x1  }
0x2: {  	[smem:$0x3F95] =	sst lr;
	_ =	strace $0xD0000000  }
0x3: {  	_ = 	snop  }
0x4: {  	_ = 	snop  }
0x5: {  	_ = 	snop  }
0x6: {  	_ = 	snop  }
0x7: {  	_ = 	snop  }
__scs_overlays_trampoline_lowered:
0x8: {  	[smem:$0x3FA4] =	sst s0  }
0x9: {  	[smem:$0x3FA5] =	sst s1  }
0xa: {  	[smem:$0x3FA6] =	sst s2  }
0xb: {  	[smem:$0x3FA7] =	sst s3  }
0xc: {  	[smem:$0x3FA8] =	sst s4  }
0xd: {  	[smem:$0x3FA9] =	sst s5  }
0xe: {  	[smem:$0x3FAA] =	sst s6  }
0xf: {  	[smem:$0x3FAB] =	sst s7  }
0x10: {  	[smem:$0x3FAC] =	sst s8  }
0x11: {  	[smem:$0x3FAD] =	sst s9;
	s0 =	simm.s32 @!p0 $0x0  }
0x12: {  	s1 =	sld [smem:$0x3F93];
	s0 =	simm.s32 @p0 $0x1  }
0x13: {  	[smem:$0x3FAE] =	sst s0;
	s0 =	simm.s32 @!p1 $0x0  }
0x14: {  	s2 =	sld [smem:$0x3F92];
	s0 =	simm.s32 @p1 $0x1  }
0x15: {  	[smem:$0x3FAF] =	sst s0;
	s0 =	simm.s32 @!p2 $0x0  }
0x16: {  	s3 =	sld [smem:$0x3FDB];
	s0 =	simm.s32 @p2 $0x1  }
0x17: {  	s4 =	simm.s32 $0x1BF5;
	[smem:$0x3FB1] =	sst s0  }
0x18: {  	s0 =	sld [smem:$0x3F94];
	_ =	swait.ge [sflag:s4], $0x0  }
0x19: {  	s7 =	sld [smem:$0x3F95]  }
0x1a: {  	s8 =	sadd.s32 $0xFFFFE003, lr  }
0x1b: {  	s9 =	sadd.s32 $0xFFFFFEF7, lr;
	s5 =	simm.s32 $0xFFFFFFFF;
	p2 =	slt.u32 s8, $0xFFFFF086  }
0x1c: {  	p1 =	slt.u32 s9, $0xF7A;
	s5 =	simm.s32 @!p2 $0x0  }
0x1d: {  	s5 =	simm.s32 @p1 $0x1;
	p0 =	seq.s32 s7, s2  }
0x1e: {  	s7 =	smul.u32 @!p0 $0xF7A, s2;
	p2 =	seq.s32 @!p0 s5, $0x0  }
0x1f: {  	s9 =	smul.u32 $0xF7A, s1;
	s8 =	simm.s32 @!p0 $0x1BF5;
	p2 =	por !p2, p0  }
0x20: {  	[sflag:s8] =	ssyncset.s32 @!p0 $0xFFFFF086;
	s6 =	sadd.s32 @!p0 s3, s7;
	s7 =	simm.s32 @!p0 $0x108  }
0x21: {  	s3 =	sadd.s32 s3, s9;
	s6 =	sadd.s32 @!p0 $0x88, s6;
	s7 =	simm.s32 @p2 $0x1082  }
0x22: {  	[simem:s7], [sflag:s8] =	dma.local @!p0 [hbm:s6], $0xF7A  }
0x23: {  	s9 =	sor.u32 $0xD0000000, s2;
	s6 =	simm.s32 $0x108;
	_ =	swait.ge @!p0 [sflag:s8], $0x0  }
0x24: {  	s3 =	sadd.s32 $0x88, s3;
	s6 =	simm.s32 @!p1 $0x1082;
	[sflag:s4] =	ssyncset.s32 $0xFFFFF086  }
0x25: {  	[simem:s6], [sflag:s4] =	dma.local [hbm:s3], $0xF7A  }
0x26: {  	[smem:$0x3F95] =	sst s1;
	(tag) =	ssettag s2;
	_ =	strace s9  }
0x27: {  	s1 =	sld [smem:$0x3FA5]  }
0x28: {  	s2 =	sld [smem:$0x3FA6]  }
0x29: {  	s4 =	sld [smem:$0x3FA8]  }
0x2a: {  	p0 =	seq.s32 s5, $0x0;
	s5 =	sld [smem:$0x3FA9]  }
0x2b: {  	s6 =	sld [smem:$0x3FAA]  }
0x2c: {  	s7 =	sld [smem:$0x3FAB]  }
0x2d: {  	s3 =	simm.s32 $0x108;
	s8 =	sld [smem:$0x3FAC]  }
0x2e: {  	s3 =	simm.s32 @!p0 $0x1082;
	s9 =	sld [smem:$0x3FAD]  }
0x2f: {  	lr =	sadd.s32 s0, s3;
	s0 =	sld [smem:$0x3FA4]  }
0x30: {  	s3 =	sld [smem:$0x3FA7]  }
0x31: {  	[smem:$0x3FB0] =	sst s10  }
0x32: {  	s10 =	sld [smem:$0x3FAE];
	_ =	sdelay $0x3  }
0x33: {  	p0 =	seq.s32 s10, $0x1;
	s10 =	sld [smem:$0x3FB0];
	_ =	sdelay $0x3  }
0x34: {  	[smem:$0x3FB0] =	sst s10  }
0x35: {  	s10 =	sld [smem:$0x3FAF];
	_ =	sdelay $0x3  }
0x36: {  	p1 =	seq.s32 s10, $0x1;
	s10 =	sld [smem:$0x3FB0];
	_ =	sdelay $0x3  }
0x37: {  	[smem:$0x3FB0] =	sst s10  }
0x38: {  	s10 =	sld [smem:$0x3FB1]  }
0x39: {  	_ = 	snop;
	(pc) =	sbr.ind lr, $3  }
0x3a: {  	_ = 	snop  }
0x3b: {  	_ = 	snop  }
0x3c: {  	p2 =	seq.s32 s10, $0x1;
	s10 =	sld [smem:$0x3FB0]  }
0x3d: {  	_ =	shalt  }
0x3e: {  	_ =	shalt  }
0x3f: {  	_ =	shalt  }
0x40: {  	_ =	shalt  }
0x41: {  	_ =	shalt  }
0x42: {  	_ =	shalt  }
0x43: {  	_ =	shalt  }
0x44: {  	_ =	shalt  }
0x45: {  	_ =	shalt  }
0x46: {  	_ =	shalt  }
0x47: {  	_ =	shalt  }
0x48: {  	_ =	shalt  }
0x49: {  	_ =	shalt  }
0x4a: {  	_ =	shalt  }
0x4b: {  	_ =	shalt  }
0x4c: {  	_ =	shalt  }
0x4d: {  	_ =	shalt  }
0x4e: {  	_ =	shalt  }
0x4f: {  	_ =	shalt  }
0x50: {  	_ =	shalt  }
0x51: {  	_ =	shalt  }
0x52: {  	_ =	shalt  }
0x53: {  	_ =	shalt  }
0x54: {  	_ =	shalt  }
0x55: {  	_ =	shalt  }
0x56: {  	_ =	shalt  }
0x57: {  	_ =	shalt  }
0x58: {  	_ =	shalt  }
0x59: {  	_ =	shalt  }
0x5a: {  	_ =	shalt  }
0x5b: {  	_ =	shalt  }
0x5c: {  	_ =	shalt  }
0x5d: {  	_ =	shalt  }
0x5e: {  	_ =	shalt  }
0x5f: {  	_ =	shalt  }
0x60: {  	_ =	shalt  }
0x61: {  	_ =	shalt  }
0x62: {  	_ =	shalt  }
0x63: {  	_ =	shalt  }
0x64: {  	_ =	shalt  }
0x65: {  	_ =	shalt  }
0x66: {  	_ =	shalt  }
0x67: {  	_ =	shalt  }
0x68: {  	_ =	shalt  }
0x69: {  	_ =	shalt  }
0x6a: {  	_ =	shalt  }
0x6b: {  	_ =	shalt  }
0x6c: {  	_ =	shalt  }
0x6d: {  	_ =	shalt  }
0x6e: {  	_ =	shalt  }
0x6f: {  	_ =	shalt  }
0x70: {  	_ =	shalt  }
0x71: {  	_ =	shalt  }
0x72: {  	_ =	shalt  }
0x73: {  	_ =	shalt  }
0x74: {  	_ =	shalt  }
0x75: {  	_ =	shalt  }
0x76: {  	_ =	shalt  }
0x77: {  	_ =	shalt  }
0x78: {  	_ =	shalt  }
0x79: {  	_ =	shalt  }
0x7a: {  	_ =	shalt  }
0x7b: {  	_ =	shalt  }
0x7c: {  	_ =	shalt  }
0x7d: {  	_ =	shalt  }
0x7e: {  	_ =	shalt  }
0x7f: {  	_ =	shalt  }
0x80: {  	_ =	shalt  }
0x81: {  	_ =	shalt  }
0x82: {  	_ =	shalt  }
0x83: {  	_ =	shalt  }
0x84: {  	_ =	shalt  }
0x85: {  	_ =	shalt  }
0x86: {  	_ =	shalt  }
0x87: {  	_ =	shalt  }
.Lfunc_end0:
.L_simem_size_0:
called_computation_lowered:
.L_overlay_start_0:
0x88: {  	s2 =	sld [smem:$0x3FD9]  }
0x89: {  	s3 =	sld [smem:$0x3FFE];
	_ =	sdelay $0x1  }
0x8a: {  	s1 =	srdreg.scid  }
0x8b: {  	s0 =	sand.u32 $0x1, s1  }
0x8c: {  	s17 =	sshll.u32 s0, $0xA;
	s2 =	sadd.s32 s3, s2  }
0x8d: {  	s2 =	sadd.s32 s2, s17  }
0x8e: {  	[smem:$0x3FBC] =	sst s2  }
0x8f: {  	_ = 	snop  }
0x90: {  	s2 =	sld [smem:$0x3FC9]  }
0x91: {  	s18 =	sld [smem:$0x3FC8]  }
0x92: {  	s4 =	sld [smem:$0x3FC7]  }
0x93: {  	s5 =	sld [smem:$0x3FC6]  }
0x94: {  	s6 =	sld [smem:$0x3FD0];
	(tm) =	ssettm $0x1  }
0x95: {  	s7 =	sld [smem:$0x3FFB];
	_ =	sdelay $0x3  }
0x96: {  	_ =	strace s7  }
0x97: {  	s7 =	sld [smem:$0x3FFC];
	_ =	sdelay $0x3  }
0x98: {  	_ =	strace s7  }
0x99: {  	s7 =	sld [smem:$0x3FFD];
	_ =	sdelay $0x3  }
0x9a: {  	_ =	strace s7  }
0x9b: {  	_ =	strace $0x8FFFFFFF  }
0x9c: {  	s19 =	sld [smem:$0x3FDB];
	_ =	sdelay $0x1  }
0x9d: {  	s8 =	simm.s32 $_scs_section_size  }
0x9e: {  	s9 =	simm.s32 $_size__tile_overlayer_lowered;
	s10 =	simm.s32 $_tile_overlayer_lowered  }
0x9f: {  	s22 =	simm.s32 $0x1BFF;
	s21 =	sshll.u32 s10, $0x1;
	s7 =	sadd.s32 s8, s19  }
0xa0: {  	s11 =	simm.s32 $0x0;
	s20 =	sshll.u32 s9, $0x1;
	s9 =	sadd.s32 s21, s7  }
0xa1: {  	[timem:s11], [sflag:s22] =	dma.local [hbm:s9], s20  }
0xa2: {  	_ =	swait.ge [sflag:s22], s20  }
0xa3: {  	s8 =	ssub.s32 $0x0, s20;
	[sflag:s22] =	ssyncset.done $0x0  }
0xa4: {  	[sflag:s22] =	ssyncadd.s32 s8;
	_ =	sdelay $0x1  }
0xa5: {  	s23 =	simm.s32 $0x1B8B  }
0xa6: {  	_ =	swait.ge [sflag:s23], $0x1  }
0xa7: {  	[sflag:s23] =	ssyncset.done $0x0  }
0xa8: {  	s25 =	simm.s32 $0x1B8E;
	s24 =	sld [smem:$0x3FFE];
	[sflag:s23] =	ssyncadd.s32 $0xFFFFFFFF  }
0xa9: {  	s26 =	simm.s32 $execute0_lowered;
	[smem:$0x3FD2] =	sst s25  }
0xaa: {  	s9 =	sshll.u32 s26, $0x1;
	_ =	strace $0x80000046;
	[dreg:$0x1] =	wrdreg $0xFFFFFFFF  }
0xab: {  	s28 =	simm.s32 $_size_execute0_lowered;
	s7 =	sadd.s32 s7, s9;
	[dreg:$0x0] =	wrdreg $0x0  }
0xac: {  	s9 =	sshll.u32 s28, $0x1;
	[dreg:$0x2] =	wrdreg s7  }
0xad: {  	[dreg:$0x3] =	wrdreg s9  }
0xae: {  	[dreg:$0x4] =	wrdreg $0xC0  }
0xaf: {  	_ =	task [dreg:s11], $0x5FFFF  }
0xb0: {  	[dreg:$0x1] =	wrdreg $0xFFFFFFFF  }
0xb1: {  	[dreg:$0x0] =	wrdreg $0x60  }
0xb2: {  	[dreg:$0x2] =	wrdreg s24  }
0xb3: {  	[dreg:$0x3] =	wrdreg s2  }
0xb4: {  	[dreg:$0x4] =	wrdreg s18  }
0xb5: {  	[dreg:$0x5] =	wrdreg s4  }
0xb6: {  	[dreg:$0x6] =	wrdreg s5  }
0xb7: {  	[dreg:$0x7] =	wrdreg s6  }
0xb8: {  	[dreg:$0x8] =	wrdreg $0x9  }
0xb9: {  	_ =	task.clear_ibuf [dreg:s11], $0x9FFFF;
	_ =	strace $0x90000046  }
0xba: {  	s29 =	simm.s32 $0x9;
	_ =	strace $0x80000048  }
0xbb: {  	_ =	swait.ge [sflag:s29], $0x1  }
0xbc: {  	[sflag:s29] =	ssyncadd.s32 $0xFFFFFFFF  }
0xbd: {  	_ =	strace $0x90000048  }
0xbe: {  	_ =	sfence  }
0xbf: {  	s30 =	sld [smem:$0x0];
	_ =	sdelay $0x2  }
0xc0: {  	s31 =	sshll.u32 s1, $0xD;
	s1 =	sshrl.u32 s1, $0x2  }
0xc1: {  	s3 =	sand.u32 $0x4000, s31;
	s1 =	sadd.s32 s1, s30  }
0xc2: {  	s0 =	sor.u32 s3, s0;
	s1 =	sshll.u32 s1, $0x11  }
0xc3: {  	s0 =	sor.u32 s1, s0  }
0xc4: {  	s0 =	sadd.s32 $0x8F2B, s0  }
0xc5: {  	[sflag:s0] =	ssyncadd.remote.s32 $0x1  }
0xc6: {  	_ =	sfence.sel $0xFFFF  }
0xc7: {  	[dreg:$0x0] =	wrdreg $0xFFFFFFFF;
	(pc) =	sbr.abs _section_cstart, $3  }
0xc8: {  	[dreg:$0x1] =	wrdreg $0xFFFFFFFF  }
0xc9: {  	_ =	task.clear_ibuf [dreg:s11], $0x2FFFF;
	_ =	strace $0x9FFFFFFF  }
0xca: {  	(tm) =	ssettm $0x7FFFFFFF  }
0xcb: {  	_ =	shalt  }
tec
execute0_lowered:
.L_overlay_start_1:
0x0: {  	(tag) =	ssettag $0x1  }
0x1: {  	s3 =	rddreg [dreg:$0x0]  }
0x2: {  	s4 =	rddreg [dreg:$0x1]  }
0x3: {  	s5 =	rddreg [dreg:$0x2]  }
0x4: {  	s6 =	rddreg [dreg:$0x3]  }
0x5: {  	s7 =	rddreg [dreg:$0x4]  }
0x6: {  	s8 =	rddreg [dreg:$0x5];
	s2 =	srdreg.scid  }
0x7: {  	s0 =	rddreg [dreg:$0x6];
	s1 =	stileid.u32  }
0x8: {  	s13 =	simm.s32 $0x1;
	s9 =	sand.u32 $0x1, s2;
	s2 =	simm.s32 $0x0  }
0x9: {  	s10 =	sshll.u32 s1, $0x8;
	s3 =	sadd.s32 $0x2C00, s3;
	s11 =	sshll.u32 s9, $0x7  }
0xa: {  	[smem:$0x7FF] =	sst s2;
	s9 =	ssub.s32 $0x2, s9;
	s10 =	sor.u32 s11, s10  }
0xb: {  	_ =	strace $0x80000047;
	s12 =	sshrl.u32 s9, $0x1;
	s11 =	sshrl.u32 s10, $0x3  }
0xc: {  	s9 =	ssub.s32 s9, s12;
	s10 =	sshll.u32 s10, $0x4;
	s12 =	simm.s32 $0x100  }
0xd: {  	s11 =	sor.u32 $0x600, s11;
	s8 =	sadd.s32 s8, s10;
	s9 =	smax.u32 s9, $0x1  }
0xe: {  	s10 =	simm.s32 $0x2;
	s4 =	sadd.s32 s4, s11;
	s5 =	sadd.s32 s5, s11  }
0xf: {  	s6 =	sadd.s32 s6, s11;
	s7 =	sadd.s32 s7, s11;
	s11 =	simm.s32 $0x80  }
.LBB2_1:
0x10: {  	[tilespmem:s2], [sflag:$0x2] =	stream.linear.gather [hbm4b:s4+s2], $0x80, $0x38;
	[tilespmem:$0x4100] =	vst v63  }
0x11: {  	_ =	swait.ge [sflag:s10], $0x80  }
0x12: {  	[sflag:s10] =	ssyncset.done $0x0  }
0x13: {  	[sflag:s10] =	ssyncadd.s32 $0xFFFFFF80  }
0x14: {  	[tilespmem:s11], [sflag:$0x2] =	stream.linear.gather [hbm4b:s5+s2], $0x80, $0x38;
	[tilespmem:$0x4100] =	vst v63  }
0x15: {  	_ =	swait.ge [sflag:s10], $0x80  }
0x16: {  	[sflag:s10] =	ssyncset.done $0x0  }
0x17: {  	[sflag:s10] =	ssyncadd.s32 $0xFFFFFF80  }
0x18: {  	v0 =	vld [tilespmem:$0x0]  }
0x19: {  	v1 =	vld [tilespmem:$0x80]  }
0x1a: {  	v2 =	vld [tilespmem:$0x10]  }
0x1b: {  	v3 =	vld [tilespmem:$0x90]  }
0x1c: {  	v4 =	vld [tilespmem:$0x20]  }
0x1d: {  	v5 =	vld [tilespmem:$0xA0]  }
0x1e: {  	v6 =	vld [tilespmem:$0x30]  }
0x1f: {  	v7 =	vld [tilespmem:$0xB0]  }
0x20: {  	v8 =	vld [tilespmem:$0x40]  }
0x21: {  	v9 =	vld [tilespmem:$0xC0]  }
0x22: {  	v10 =	vld [tilespmem:$0x50]  }
0x23: {  	v11 =	vld [tilespmem:$0xD0];
	v0 =	vmul.u32 $0x7, v0  }
0x24: {  	v12 =	vld [tilespmem:$0x60];
	v2 =	vmul.u32 $0x7, v2  }
0x25: {  	v39 =	vld [tilespmem:$0x70];
	v38 =	vmul.u32 $0x7, v4;
	v0 =	vadd.s32 v1, v0  }
0x26: {  	v42 =	vld [tilespmem:$0xE0];
	v41 =	vmul.u32 $0x7, v6;
	v40 =	vadd.s32 v3, v2;
	[tilespmem:$0x0] =	vst v0  }
0x27: {  	v45 =	vld [tilespmem:$0xF0];
	v44 =	vmul.u32 $0x7, v8;
	v43 =	vadd.s32 v5, v38;
	[tilespmem:$0x10] =	vst v40  }
0x28: {  	v47 =	vmul.u32 $0x7, v10;
	v46 =	vadd.s32 v7, v41;
	[tilespmem:$0x20] =	vst v43  }
0x29: {  	v49 =	vmul.u32 $0x7, v12;
	v48 =	vadd.s32 v9, v44;
	[tilespmem:$0x30] =	vst v46  }
0x2a: {  	v51 =	vmul.u32 $0x7, v39;
	v50 =	vadd.s32 v11, v47;
	[tilespmem:$0x40] =	vst v48  }
0x2b: {  	v52 =	vadd.s32 v42, v49;
	[tilespmem:$0x50] =	vst v50  }
0x2c: {  	v53 =	vadd.s32 v45, v51;
	[tilespmem:$0x60] =	vst v52  }
0x2d: {  	[tilespmem:$0x70] =	vst v53  }
0x2e: {  	[tilespmem:s11], [sflag:$0x2] =	stream.linear.gather [hbm4b:s6+s2], $0x80, $0x38;
	[tilespmem:$0x4100] =	vst v63  }
0x2f: {  	_ =	swait.ge [sflag:s10], $0x80  }
0x30: {  	[sflag:s10] =	ssyncset.done $0x0  }
0x31: {  	[sflag:s10] =	ssyncadd.s32 $0xFFFFFF80  }
0x32: {  	v54 =	vld [tilespmem:$0x0]  }
0x33: {  	v55 =	vld [tilespmem:$0x80]  }
0x34: {  	v56 =	vld [tilespmem:$0x10]  }
0x35: {  	v57 =	vld [tilespmem:$0x90]  }
0x36: {  	v58 =	vld [tilespmem:$0x20]  }
0x37: {  	v59 =	vld [tilespmem:$0xA0]  }
0x38: {  	v60 =	vld [tilespmem:$0x30]  }
0x39: {  	v61 =	vld [tilespmem:$0xB0]  }
0x3a: {  	v62 =	vld [tilespmem:$0x40]  }
0x3b: {  	v63 =	vld [tilespmem:$0xC0]  }
0x3c: {  	v16 =	vld [tilespmem:$0x50]  }
0x3d: {  	v17 =	vld [tilespmem:$0xD0];
	v0 =	vmul.u32 $0xA, v54  }
0x3e: {  	v18 =	vld [tilespmem:$0x60];
	v2 =	vmul.u32 $0xA, v56  }
0x3f: {  	v20 =	vld [tilespmem:$0x70];
	v19 =	vmul.u32 $0xA, v58;
	v0 =	vadd.s32 v55, v0  }
0x40: {  	v23 =	vld [tilespmem:$0xE0];
	v22 =	vmul.u32 $0xA, v60;
	v21 =	vadd.s32 v57, v2;
	[tilespmem:$0x0] =	vst v0  }
0x41: {  	v26 =	vld [tilespmem:$0xF0];
	v25 =	vmul.u32 $0xA, v62;
	v24 =	vadd.s32 v59, v19;
	[tilespmem:$0x10] =	vst v21  }
0x42: {  	v28 =	vmul.u32 $0xA, v16;
	v27 =	vadd.s32 v61, v22;
	[tilespmem:$0x20] =	vst v24  }
0x43: {  	v30 =	vmul.u32 $0xA, v18;
	v29 =	vadd.s32 v63, v25;
	[tilespmem:$0x30] =	vst v27  }
0x44: {  	v32 =	vmul.u32 $0xA, v20;
	v31 =	vadd.s32 v17, v28;
	[tilespmem:$0x40] =	vst v29  }
0x45: {  	v33 =	vadd.s32 v23, v30;
	[tilespmem:$0x50] =	vst v31  }
0x46: {  	v34 =	vadd.s32 v26, v32;
	[tilespmem:$0x60] =	vst v33  }
0x47: {  	[tilespmem:$0x70] =	vst v34  }
0x48: {  	[tilespmem:s11], [sflag:$0x2] =	stream.linear.gather [hbm4b:s7+s2], $0x80, $0x38;
	[tilespmem:$0x4100] =	vst v63  }
0x49: {  	_ =	swait.ge [sflag:s10], $0x80  }
0x4a: {  	[sflag:s10] =	ssyncset.done $0x0  }
0x4b: {  	[sflag:s10] =	ssyncadd.s32 $0xFFFFFF80  }
0x4c: {  	v35 =	vld [tilespmem:$0x0]  }
0x4d: {  	v36 =	vld [tilespmem:$0x80]  }
0x4e: {  	v37 =	vld [tilespmem:$0x10]  }
0x4f: {  	v38 =	vld [tilespmem:$0x90]  }
0x50: {  	v39 =	vld [tilespmem:$0x20]  }
0x51: {  	v40 =	vld [tilespmem:$0xA0]  }
0x52: {  	v41 =	vld [tilespmem:$0x30]  }
0x53: {  	v42 =	vld [tilespmem:$0xB0]  }
0x54: {  	v43 =	vld [tilespmem:$0x40]  }
0x55: {  	v44 =	vld [tilespmem:$0xC0]  }
0x56: {  	v45 =	vld [tilespmem:$0x50]  }
0x57: {  	v46 =	vld [tilespmem:$0xD0];
	v0 =	vmul.u32 $0x5, v35  }
0x58: {  	v47 =	vld [tilespmem:$0x60];
	v2 =	vmul.u32 $0x5, v37  }
0x59: {  	v49 =	vld [tilespmem:$0x70];
	v48 =	vmul.u32 $0x5, v39;
	v0 =	vadd.s32 v36, v0  }
0x5a: {  	v52 =	vld [tilespmem:$0xE0];
	v51 =	vmul.u32 $0x5, v41;
	v50 =	vadd.s32 v38, v2;
	[tilespmem:$0x0] =	vst v0  }
0x5b: {  	v55 =	vld [tilespmem:$0xF0];
	v54 =	vmul.u32 $0x5, v43;
	v53 =	vadd.s32 v40, v48;
	[tilespmem:$0x10] =	vst v50  }
0x5c: {  	v57 =	vmul.u32 $0x5, v45;
	v56 =	vadd.s32 v42, v51;
	[tilespmem:$0x20] =	vst v53  }
0x5d: {  	v59 =	vmul.u32 $0x5, v47;
	v58 =	vadd.s32 v44, v54;
	[tilespmem:$0x30] =	vst v56  }
0x5e: {  	v61 =	vmul.u32 $0x5, v49;
	v60 =	vadd.s32 v46, v57;
	[tilespmem:$0x40] =	vst v58  }
0x5f: {  	v62 =	vadd.s32 v52, v59;
	[tilespmem:$0x50] =	vst v60  }
0x60: {  	v63 =	vadd.s32 v55, v61;
	[tilespmem:$0x60] =	vst v62  }
0x61: {  	[tilespmem:$0x70] =	vst v63  }
0x62: {  	[tilespmem:s12], [sflag:$0x1] =	stream.indirect.gather [hbm4b:s3+s11], $0x80, s2, s11, $0xb8;
	[tilespmem:$0x4100] =	vst v63  }
0x63: {  	_ =	swait.ge [sflag:s13], $0x4000  }
0x64: {  	p0 =	sne.s32 s9, $0x1;
	[sflag:s13] =	ssyncset.done $0x0  }
.Ltmp0:
0x65: {  	[sflag:s13] =	ssyncadd.s32 $0xFFFFC000;
	(pc) =	sbr.rel @p0 .LBB2_1-.Ltmp0, $4  }
0x66: {  	[hbm4b:s8+s2] =	stream.linear.scatter [tilespmem:s12], [sflag:$0x2], $0x4000, $0x38;
	[tilespmem:$0x4100] =	vst v63  }
0x67: {  	_ =	swait.ge [sflag:s10], $0x4000  }
0x68: {  	[sflag:s10] =	ssyncset.done $0x0  }
0x69: {  	s9 =	sadd.s32 $0xFFFFFFFF, s9;
	[sflag:s10] =	ssyncadd.s32 $0xFFFFC000  }
0x6a: {  	_ =	sfence.sel $0x180000  }
0x6b: {  	[bflag:$0x0] =	sbarrier.arrive $0xFFFF  }
0x6c: {  	p0 =	sne.s32 s1, $0x0;
	_ =	strace $0x90000047  }
0x6d: {  	s0 =	sadd.s32 @!p0 $0x100000, s0;
	[bflag:$0x2] =	sbarrier.arrive $0xFFFF  }
0x6e: {  	[sflag:s0] =	ssyncadd.tile.s32 @!p0 $0x1;
	_ =	shalt  }
.Lfunc_end2:
_tile_overlayer_lowered:
.L_overlay_start_2:
0x6f: {  	(tag) =	ssettag $0x2  }
0x70: {  	s0 =	rddreg [dreg:$0x0];
	s2 =	stileid.u32  }
0x71: {  	s1 =	rddreg [dreg:$0x1];
	p0 =	sne.s32 s2, $0x0  }
0x72: {  	s3 =	rddreg [dreg:$0x2];
	[bflag:$0x3] =	sbarrier.arrive $0xFFFF;
	s2 =	simm.s32 @!p0 $0x1C02  }
0x73: {  	[timem:s3], [sflag:s2] =	dma.local @!p0 [hbm:s0], s1  }
0x74: {  	s0 =	simm.s32 @!p0 $0x2  }
0x75: {  	_ =	swait.ge @!p0 [sflag:s0], s1  }
0x76: {  	s1 =	ssub.s32 @!p0 $0x0, s1;
	[sflag:s0] =	ssyncset.done @!p0 $0x0  }
0x77: {  	[sflag:s0] =	ssyncadd.s32 @!p0 s1  }
0x78: {  	[bflag:$0x3] =	sbarrier.arrive $0xFFFF  }
0x79: {  	_ =	shalt  }

</sc_bundles>
